<compile_context>
chip_gen: v7x
topology: tpu7x:2x2x1
jax: 0.10.2.dev20260603
libtpu: 0.0.44.dev20260713+nightly
codegen_flags: <defaults>
</compile_context>

<pallas_src>
import dataclasses
import functools

import jax
import jax.numpy as jnp
from jax import lax
from jax.experimental import pallas as pl
from jax.experimental.pallas import tpu as pltpu
from jax.experimental.pallas import tpu_sc as plsc

N_NODES = 10000
N_EDGES = 320000
D_IN = 128

NC = 2
NS = 16
NW = NC * NS
EDGES_PER_TILE = N_EDGES // NW
CHUNK = 96
NCHUNKS = 108
CHUNK3 = 80
NCHUNKS3 = 129
N_PAD = 10112
ROWS_PER_TILE = N_PAD // NS


@functools.cache
def _mesh():
    return plsc.VectorSubcoreMesh(core_axis_name="c", subcore_axis_name="s",
                                  num_cores=NC, num_subcores=NS)


@functools.cache
def _sc_params():
    cp = pltpu.CompilerParams()
    if "needs_layout_passes" in pltpu.CompilerParams.__dataclass_fields__:
        cp = dataclasses.replace(cp, needs_layout_passes=False)
    return cp


def _sc_aggregate(x, src3, dst3, zeros, with_deg):
    d = x.shape[1]
    nbuf = 2 if with_deg else 3
    CHUNK = src3.shape[2]
    NCHUNKS = src3.shape[1]
    out_type = [jax.ShapeDtypeStruct((NC, N_PAD, d), jnp.float32)]
    scratch = [pltpu.VMEM((NCHUNKS, CHUNK), jnp.int32)]
    scratch += [pltpu.VMEM((CHUNK,), jnp.int32) for _ in range(nbuf)]
    scratch += [pltpu.VMEM((CHUNK, d), jnp.float32) for _ in range(nbuf)]
    scratch += [pltpu.VMEM_SHARED((N_PAD, d), jnp.float32)]
    scratch += [pltpu.SemaphoreType.DMA for _ in range(2 * nbuf)]
    if with_deg:
        out_type.append(jax.ShapeDtypeStruct((NW, N_PAD), jnp.float32))
        scratch.append(pltpu.VMEM((N_PAD,), jnp.float32))

    @functools.partial(
        pl.kernel,
        out_type=tuple(out_type),
        mesh=_mesh(),
        compiler_params=_sc_params(),
        scratch_types=scratch,
    )
    def body(x_hbm, src_hbm, dst_hbm, zeros_hbm, *rest):
        if with_deg:
            (agg_hbm, deg_hbm, dsti, srcb0, srcb1, rows0, rows1, acc,
             sem0, sem1, isem0, isem1, hist) = rest
            srcb = (srcb0, srcb1)
            rows = (rows0, rows1)
            gsem = (sem0, sem1)
            isem = (isem0, isem1)
        else:
            (agg_hbm, dsti, srcb0, srcb1, srcb2, rows0, rows1, rows2, acc,
             sem0, sem1, sem2, isem0, isem1, isem2) = rest
            srcb = (srcb0, srcb1, srcb2)
            rows = (rows0, rows1, rows2)
            gsem = (sem0, sem1, sem2)
            isem = (isem0, isem1, isem2)
        c = lax.axis_index("c")
        s = lax.axis_index("s")
        t = c * NS + s
        base = s * ROWS_PER_TILE

        zero16 = jnp.zeros((16,), jnp.float32)
        one16 = jnp.full((16,), 1.0, jnp.float32)

        icp = pltpu.async_copy(dst_hbm.at[t], dsti, sem0)
        pltpu.sync_copy(zeros_hbm.at[pl.ds(base, ROWS_PER_TILE)],
                        acc.at[pl.ds(base, ROWS_PER_TILE)])

        if with_deg:
            @pl.loop(0, N_PAD // 16)
            def _(r):
                hist[pl.ds(r * 16, 16)] = zero16

        icp.wait()
        plsc.subcore_barrier()

        def hist_update(j):
            @pl.loop(0, CHUNK // 16)
            def _(i):
                idx16 = dsti[j, pl.ds(i * 16, 16)]
                plsc.addupdate_scatter(hist, [idx16], one16)

        assert NCHUNKS % nbuf == 0
        for k in range(nbuf):
            pltpu.sync_copy(src_hbm.at[t, k], srcb[k])
            pltpu.async_copy(x_hbm.at[srcb[k]], rows[k], gsem[k])

        @pl.loop(0, NCHUNKS // nbuf)
        def _(p):
            j0 = nbuf * p
            for k in range(nbuf):
                j = j0 + k
                pltpu.make_async_copy(x_hbm.at[srcb[k]], rows[k],
                                      gsem[k]).wait()

                @pl.when(j + nbuf < NCHUNKS)
                def _(k=k, j=j):
                    pltpu.async_copy(src_hbm.at[t, j + nbuf], srcb[k], isem[k])

                pltpu.sync_copy(rows[k], acc.at[dsti.at[j]], add=True)

                @pl.when(j + nbuf < NCHUNKS)
                def _(k=k, j=j):
                    pltpu.make_async_copy(src_hbm.at[t, j + nbuf], srcb[k],
                                          isem[k]).wait()
                    pltpu.async_copy(x_hbm.at[srcb[k]], rows[k], gsem[k])

                if with_deg:
                    hist_update(j)

        plsc.subcore_barrier()

        pltpu.sync_copy(acc.at[pl.ds(base, ROWS_PER_TILE)],
                        agg_hbm.at[c, pl.ds(base, ROWS_PER_TILE)])
        if with_deg:
            pltpu.sync_copy(hist, deg_hbm.at[t])

    return body(x, src3, dst3, zeros)


def _dense(x, agg2, invdeg, w_self, w_neigh, b, relu):
    n, d_in = x.shape
    d_out = w_self.shape[1]
    blk = 2000

    def body(x_ref, a_ref, i_ref, ws_ref, wn_ref, b_ref, o_ref):
        hn = (a_ref[0] + a_ref[1]) * i_ref[...]
        r = jnp.dot(x_ref[...], ws_ref[...], preferred_element_type=jnp.float32)
        r = r + jnp.dot(hn, wn_ref[...], preferred_element_type=jnp.float32)
        r = r + b_ref[...]
        if relu:
            r = jnp.maximum(r, 0.0)
        o_ref[...] = r

    return pl.pallas_call(
        body,
        grid=(n // blk,),
        in_specs=[
            pl.BlockSpec((blk, d_in), lambda i: (i, 0)),
            pl.BlockSpec((NC, blk, d_in), lambda i: (0, i, 0)),
            pl.BlockSpec((blk, 1), lambda i: (i, 0)),
            pl.BlockSpec((d_in, d_out), lambda i: (0, 0)),
            pl.BlockSpec((d_in, d_out), lambda i: (0, 0)),
            pl.BlockSpec((1, d_out), lambda i: (0, 0)),
        ],
        out_specs=pl.BlockSpec((blk, d_out), lambda i: (i, 0)),
        out_shape=jax.ShapeDtypeStruct((n, d_out), jnp.float32),
    )(x, agg2, invdeg, w_self, w_neigh, b.reshape(1, -1))


def _edge_layout(src2, dst2, nchunks, chunk):
    pad = nchunks * chunk - EDGES_PER_TILE
    pad_dst = (N_NODES
               + (jnp.arange(NW * pad, dtype=jnp.int32) % (N_PAD - N_NODES))
               ).reshape(NW, pad)
    pad_src = (jnp.arange(NW * pad, dtype=jnp.int32) * 61 % N_NODES
               ).reshape(NW, pad)
    src3 = jnp.concatenate([src2, pad_src], axis=1).reshape(NW, nchunks, chunk)
    dst3 = jnp.concatenate([dst2, pad_dst], axis=1).reshape(NW, nchunks, chunk)
    return src3, dst3


def kernel(features, edge_index, W_self0, W_neigh0, b0,
           W_self1, W_neigh1, b1, W_self2, W_neigh2, b2):
    src2 = edge_index[0].astype(jnp.int32).reshape(NW, EDGES_PER_TILE)
    dst2 = edge_index[1].astype(jnp.int32).reshape(NW, EDGES_PER_TILE)
    src3a, dst3a = _edge_layout(src2, dst2, NCHUNKS, CHUNK)
    src3b, dst3b = _edge_layout(src2, dst2, NCHUNKS3, CHUNK3)
    zeros = jnp.zeros((N_PAD, D_IN), jnp.float32)

    agg0, hist = _sc_aggregate(features, src3a, dst3a, zeros, with_deg=True)
    invdeg = (1.0 / jnp.maximum(jnp.sum(hist, axis=0)[:N_NODES], 1.0))[:, None]
    h1 = _dense(features, agg0, invdeg, W_self0, W_neigh0, b0, relu=True)
    (agg1,) = _sc_aggregate(h1, src3b, dst3b, zeros, with_deg=False)
    h2 = _dense(h1, agg1, invdeg, W_self1, W_neigh1, b1, relu=True)
    (agg2,) = _sc_aggregate(h2, src3b, dst3b, zeros, with_deg=False)
    return _dense(h2, agg2, invdeg, W_self2, W_neigh2, b2, relu=False)

# --- scband reference (transcript-rebuilt; emitter-appended) ---
"""Pipeline reference for scband-graph-sage-48850958025340 (READ-ONLY COPY).

The authoritative reference and input builder live on the scoring server;
editing this copy changes nothing except your own understanding.
"""

import jax, jax.numpy as jnp
import numpy as np

N_NODES = 10000
N_EDGES = 320000
D_IN = 128
D_HID = 128
N_CLASSES = 40


def setup_inputs(seed: int = 0) -> dict:
    key = jax.random.key(seed)
    ks = jax.random.split(key, 12)
    features = jax.random.normal(ks[0], (N_NODES, D_IN), dtype=jnp.float32)
    edge_index = jax.random.randint(ks[1], (2, N_EDGES), 0, N_NODES, dtype=jnp.int64)
    # layer 0: D_IN -> D_HID, layer 1: D_HID -> D_HID, layer 2: D_HID -> N_CLASSES
    W_self0 = jax.random.normal(ks[2], (D_IN, D_HID), dtype=jnp.float32) * (1.0 / np.sqrt(D_IN))
    W_neigh0 = jax.random.normal(ks[3], (D_IN, D_HID), dtype=jnp.float32) * (1.0 / np.sqrt(D_IN))
    b0 = jnp.zeros((D_HID,), dtype=jnp.float32)
    W_self1 = jax.random.normal(ks[4], (D_HID, D_HID), dtype=jnp.float32) * (1.0 / np.sqrt(D_HID))
    W_neigh1 = jax.random.normal(ks[5], (D_HID, D_HID), dtype=jnp.float32) * (1.0 / np.sqrt(D_HID))
    b1 = jnp.zeros((D_HID,), dtype=jnp.float32)
    W_self2 = jax.random.normal(ks[6], (D_HID, N_CLASSES), dtype=jnp.float32) * (1.0 / np.sqrt(D_HID))
    W_neigh2 = jax.random.normal(ks[7], (D_HID, N_CLASSES), dtype=jnp.float32) * (1.0 / np.sqrt(D_HID))
    b2 = jnp.zeros((N_CLASSES,), dtype=jnp.float32)
    return {
        "features": features,
        "edge_index": edge_index,
        "W_self0": W_self0, "W_neigh0": W_neigh0, "b0": b0,
        "W_self1": W_self1, "W_neigh1": W_neigh1, "b1": b1,
        "W_self2": W_self2, "W_neigh2": W_neigh2, "b2": b2,
    }


def _sage_layer(x, src, dst, n_nodes, W_self, W_neigh, b, activation):
    # DGL SAGEConv with 'mean' aggregator, dropout=0 (eval):
    # h_neigh = mean_{u in N(v)} x_u ; rst = x @ W_self + h_neigh @ W_neigh + b
    msgs = jnp.take(x, src, axis=0)                               # gather [E, d]
    agg = jax.ops.segment_sum(msgs, dst, num_segments=n_nodes)     # scatter-add [N, d]
    deg = jax.ops.segment_sum(jnp.ones((src.shape[0],), dtype=x.dtype), dst, num_segments=n_nodes)
    h_neigh = agg / jnp.clip(deg, 1.0)[:, None]
    rst = x @ W_self + h_neigh @ W_neigh + b
    if activation:
        rst = jax.nn.relu(rst)
    return rst


def reference(features, edge_index, W_self0, W_neigh0, b0, W_self1, W_neigh1, b1, W_self2, W_neigh2, b2):
    src = edge_index[0]
    dst = edge_index[1]
    n = features.shape[0]
    h = _sage_layer(features, src, dst, n, W_self0, W_neigh0, b0, True)
    h = _sage_layer(h, src, dst, n, W_self1, W_neigh1, b1, True)
    h = _sage_layer(h, src, dst, n, W_self2, W_neigh2, b2, False)
    return h

if __name__ == "__main__":
    import jax
    _d = setup_inputs()
    print(jax.jit(kernel)(*tuple(_d.values())))

</pallas_src>

<mosaic_0001>
#map = affine_map<(d0, d1) -> (0, 0)>
#map1 = affine_map<(d0, d1) -> (0, 0, 0)>
module attributes {stable_mosaic.version = 14 : i64} {
  func.func @body(%arg0: i32, %arg1: i32, %arg2: memref<10000x128xf32, #tpu.memory_space<hbm>>, %arg3: memref<32x108x96xi32, #tpu.memory_space<hbm>>, %arg4: memref<32x108x96xi32, #tpu.memory_space<hbm>>, %arg5: memref<10112x128xf32, #tpu.memory_space<hbm>>, %arg6: memref<2x10112x128xf32, #tpu.memory_space<hbm>>, %arg7: memref<32x10112xf32, #tpu.memory_space<hbm>>, %arg8: memref<108x96xi32, #tpu.memory_space<vmem>>, %arg9: memref<96xi32, #tpu.memory_space<vmem>>, %arg10: memref<96xi32, #tpu.memory_space<vmem>>, %arg11: memref<96x128xf32, #tpu.memory_space<vmem>>, %arg12: memref<96x128xf32, #tpu.memory_space<vmem>>, %arg13: memref<10112x128xf32, #tpu.memory_space<vmem_shared>>, %arg14: memref<!tpu.dma_semaphore, #tpu.memory_space<semaphore_mem>>, %arg15: memref<!tpu.dma_semaphore, #tpu.memory_space<semaphore_mem>>, %arg16: memref<!tpu.dma_semaphore, #tpu.memory_space<semaphore_mem>>, %arg17: memref<!tpu.dma_semaphore, #tpu.memory_space<semaphore_mem>>, %arg18: memref<10112xf32, #tpu.memory_space<vmem>>) attributes {dimension_semantics = [#tpu.dimension_semantics<core_parallel>, #tpu.dimension_semantics<subcore_parallel>], iteration_bounds = array<i64: 2, 16>, scalar_prefetch = 0 : i64, scratch_operands = 11 : i64, tpu.core_type = #tpu.core_type<sc_vector_subcore>, window_params = [{transform_indices = #map}, {transform_indices = #map1}, {transform_indices = #map1}, {transform_indices = #map}, {transform_indices = #map1}, {transform_indices = #map}]} {
    %mul3A = arith.constant 16 : i32
    %mul3A_0 = arith.muli %arg0, %mul3A : i32
    %add3A = arith.addi %mul3A_0, %arg1 : i32
    %mul3A_1 = arith.constant 632 : i32
    %mul3A_2 = arith.muli %arg1, %mul3A_1 : i32
    %broadcast_in_dim3A = arith.constant 0.000000e+00 : f32
    %broadcast_in_dim3A_3 = vector.broadcast %broadcast_in_dim3A : f32 to vector<16xf32>
    %broadcast_in_dim3A_4 = arith.constant 1.000000e+00 : f32
    %broadcast_in_dim3A_5 = vector.broadcast %broadcast_in_dim3A_4 : f32 to vector<16xf32>
    %dma_start3A = arith.constant 0 : i32
    %dma_start3A_6 = arith.constant 0 : i32
    %dma_start3A_7 = tpu.memref_slice %arg4[%add3A, %dma_start3A, %dma_start3A_6] : memref<32x108x96xi32, #tpu.memory_space<hbm>> -> memref<1x108x96xi32, #tpu.memory_space<hbm>>
    %dma_start3A_8 = tpu.memref_squeeze %dma_start3A_7 : memref<1x108x96xi32, #tpu.memory_space<hbm>> -> memref<108x96xi32, #tpu.memory_space<hbm>>
    %dma_start3A_9 = arith.constant 0 : i32
    %dma_start3A_10 = arith.constant 0 : i32
    %dma_start3A_11 = tpu.memref_slice %arg4[%add3A, %dma_start3A_9, %dma_start3A_10] : memref<32x108x96xi32, #tpu.memory_space<hbm>> -> memref<1x108x96xi32, #tpu.memory_space<hbm>>
    %dma_start3A_12 = tpu.memref_squeeze %dma_start3A_11 : memref<1x108x96xi32, #tpu.memory_space<hbm>> -> memref<108x96xi32, #tpu.memory_space<hbm>>
    tpu.enqueue_dma source(%dma_start3A_12 : memref<108x96xi32, #tpu.memory_space<hbm>>) target(%arg8 : memref<108x96xi32, #tpu.memory_space<vmem>>) target_semaphore(%arg14 : memref<!tpu.dma_semaphore, #tpu.memory_space<semaphore_mem>>)
    "tpu.region"() ({
      %run_scoped3A_37 = tpu.sem_alloc : memref<!tpu.dma_semaphore, #tpu.memory_space<semaphore_mem>>
      %dma_start3A_38 = arith.constant 0 : i32
      %dma_start3A_39 = tpu.memref_slice %arg13[%mul3A_2, %dma_start3A_38] : memref<10112x128xf32, #tpu.memory_space<vmem_shared>> -> memref<632x128xf32, #tpu.memory_space<vmem_shared>>
      %dma_start3A_40 = arith.constant 0 : i32
      %dma_start3A_41 = tpu.memref_slice %arg5[%mul3A_2, %dma_start3A_40] : memref<10112x128xf32, #tpu.memory_space<hbm>> -> memref<632x128xf32, #tpu.memory_space<hbm>>
      tpu.enqueue_dma source(%dma_start3A_41 : memref<632x128xf32, #tpu.memory_space<hbm>>) target(%dma_start3A_39 : memref<632x128xf32, #tpu.memory_space<vmem_shared>>) target_semaphore(%run_scoped3A_37 : memref<!tpu.dma_semaphore, #tpu.memory_space<semaphore_mem>>)
      %dma_wait3A_42 = arith.constant 0 : i32
      %dma_wait3A_43 = tpu.memref_slice %arg13[%mul3A_2, %dma_wait3A_42] : memref<10112x128xf32, #tpu.memory_space<vmem_shared>> -> memref<632x128xf32, #tpu.memory_space<vmem_shared>>
      %dma_wait3A_44 = arith.constant 0 : i32
      %dma_wait3A_45 = tpu.memref_slice %arg5[%mul3A_2, %dma_wait3A_44] : memref<10112x128xf32, #tpu.memory_space<hbm>> -> memref<632x128xf32, #tpu.memory_space<hbm>>
      tpu.wait_dma2 semaphore(%run_scoped3A_37 : memref<!tpu.dma_semaphore, #tpu.memory_space<semaphore_mem>>) src(%dma_wait3A_45 : memref<632x128xf32, #tpu.memory_space<hbm>>) dst(%dma_wait3A_43 : memref<632x128xf32, #tpu.memory_space<vmem_shared>>)
      tpu.yield
    }) : () -> ()
    %scan3A = arith.constant 0 : i32
    %scan3A_13 = arith.constant 632 : i32
    %scan3A_14 = arith.addi %scan3A, %scan3A_13 : i32
    %scan3A_15 = arith.constant 1 : i32
    scf.for %scan3A_37 = %scan3A to %scan3A_14 step %scan3A_15  : i32 {
      %mul3A_38 = arith.constant 1 : i32
      %mul3A_39 = arith.muli %scan3A_37, %mul3A_38 : i32
      %add3A_40 = arith.constant 0 : i32
      %add3A_41 = arith.addi %add3A_40, %mul3A_39 : i32
      %mul3A_42 = arith.constant 16 : i32
      %mul3A_43 = arith.muli %add3A_41, %mul3A_42 : i32
      %swap3A = arith.index_cast %mul3A_43 : i32 to index
      %swap3A_44 = tpu.vector_load %arg18[%swap3A] {strides = array<i32>} : memref<10112xf32, #tpu.memory_space<vmem>>, vector<16xf32>,
      tpu.vector_store %arg18[%swap3A], %broadcast_in_dim3A_3 {strides = array<i32>} : memref<10112xf32, #tpu.memory_space<vmem>>, vector<16xf32>,
    }
    %scan3A_16 = arith.constant 632 : i32
    %dma_wait3A = arith.constant 0 : i32
    %dma_wait3A_17 = arith.constant 0 : i32
    %dma_wait3A_18 = tpu.memref_slice %arg4[%add3A, %dma_wait3A, %dma_wait3A_17] : memref<32x108x96xi32, #tpu.memory_space<hbm>> -> memref<1x108x96xi32, #tpu.memory_space<hbm>>
    %dma_wait3A_19 = tpu.memref_squeeze %dma_wait3A_18 : memref<1x108x96xi32, #tpu.memory_space<hbm>> -> memref<108x96xi32, #tpu.memory_space<hbm>>
    %dma_wait3A_20 = arith.constant 0 : i32
    %dma_wait3A_21 = arith.constant 0 : i32
    %dma_wait3A_22 = tpu.memref_slice %arg4[%add3A, %dma_wait3A_20, %dma_wait3A_21] : memref<32x108x96xi32, #tpu.memory_space<hbm>> -> memref<1x108x96xi32, #tpu.memory_space<hbm>>
    %dma_wait3A_23 = tpu.memref_squeeze %dma_wait3A_22 : memref<1x108x96xi32, #tpu.memory_space<hbm>> -> memref<108x96xi32, #tpu.memory_space<hbm>>
    tpu.wait_dma2 semaphore(%arg14 : memref<!tpu.dma_semaphore, #tpu.memory_space<semaphore_mem>>) src(%dma_wait3A_23 : memref<108x96xi32, #tpu.memory_space<hbm>>) dst(%arg8 : memref<108x96xi32, #tpu.memory_space<vmem>>)
    %barrier3A = arith.constant 0 : index
    tpu.barrier barrier_id(%barrier3A)
    %run_scoped3A = arith.constant 0 : i32
    "tpu.region"() ({
      %run_scoped3A_37 = tpu.sem_alloc : memref<!tpu.dma_semaphore, #tpu.memory_space<semaphore_mem>>
      %dma_start3A_38 = arith.constant 0 : i32
      %dma_start3A_39 = tpu.memref_slice %arg3[%add3A, %run_scoped3A, %dma_start3A_38] : memref<32x108x96xi32, #tpu.memory_space<hbm>> -> memref<1x1x96xi32, #tpu.memory_space<hbm>>
      %dma_start3A_40 = tpu.memref_squeeze %dma_start3A_39 : memref<1x1x96xi32, #tpu.memory_space<hbm>> -> memref<96xi32, #tpu.memory_space<hbm>>
      %dma_start3A_41 = arith.constant 0 : i32
      %dma_start3A_42 = tpu.memref_slice %arg3[%add3A, %run_scoped3A, %dma_start3A_41] : memref<32x108x96xi32, #tpu.memory_space<hbm>> -> memref<1x1x96xi32, #tpu.memory_space<hbm>>
      %dma_start3A_43 = tpu.memref_squeeze %dma_start3A_42 : memref<1x1x96xi32, #tpu.memory_space<hbm>> -> memref<96xi32, #tpu.memory_space<hbm>>
      tpu.enqueue_dma source(%dma_start3A_43 : memref<96xi32, #tpu.memory_space<hbm>>) target(%arg9 : memref<96xi32, #tpu.memory_space<vmem>>) target_semaphore(%run_scoped3A_37 : memref<!tpu.dma_semaphore, #tpu.memory_space<semaphore_mem>>)
      %dma_wait3A_44 = arith.constant 0 : i32
      %dma_wait3A_45 = tpu.memref_slice %arg3[%add3A, %run_scoped3A, %dma_wait3A_44] : memref<32x108x96xi32, #tpu.memory_space<hbm>> -> memref<1x1x96xi32, #tpu.memory_space<hbm>>
      %dma_wait3A_46 = tpu.memref_squeeze %dma_wait3A_45 : memref<1x1x96xi32, #tpu.memory_space<hbm>> -> memref<96xi32, #tpu.memory_space<hbm>>
      %dma_wait3A_47 = arith.constant 0 : i32
      %dma_wait3A_48 = tpu.memref_slice %arg3[%add3A, %run_scoped3A, %dma_wait3A_47] : memref<32x108x96xi32, #tpu.memory_space<hbm>> -> memref<1x1x96xi32, #tpu.memory_space<hbm>>
      %dma_wait3A_49 = tpu.memref_squeeze %dma_wait3A_48 : memref<1x1x96xi32, #tpu.memory_space<hbm>> -> memref<96xi32, #tpu.memory_space<hbm>>
      tpu.wait_dma2 semaphore(%run_scoped3A_37 : memref<!tpu.dma_semaphore, #tpu.memory_space<semaphore_mem>>) src(%dma_wait3A_49 : memref<96xi32, #tpu.memory_space<hbm>>) dst(%arg9 : memref<96xi32, #tpu.memory_space<vmem>>)
      tpu.yield
    }) : () -> ()
    %dma_start3A_24 = arith.constant 0 : i32
    %dma_start3A_25 = arith.constant 0 : i32
    %dma_start3A_26 = tpu.memref_slice %arg2[%dma_start3A_24, %dma_start3A_25] : memref<10000x128xf32, #tpu.memory_space<hbm>> -> memref<10000x128xf32, #tpu.memory_space<hbm>>
    tpu.enqueue_indirect_dma source(%dma_start3A_26 : memref<10000x128xf32, #tpu.memory_space<hbm>>) target(%arg11 : memref<96x128xf32, #tpu.memory_space<vmem>>) offsets(%arg9 : memref<96xi32, #tpu.memory_space<vmem>>) semaphore(%arg14 : memref<!tpu.dma_semaphore, #tpu.memory_space<semaphore_mem>>)
    %run_scoped3A_27 = arith.constant 1 : i32
    "tpu.region"() ({
      %run_scoped3A_37 = tpu.sem_alloc : memref<!tpu.dma_semaphore, #tpu.memory_space<semaphore_mem>>
      %dma_start3A_38 = arith.constant 0 : i32
      %dma_start3A_39 = tpu.memref_slice %arg3[%add3A, %run_scoped3A_27, %dma_start3A_38] : memref<32x108x96xi32, #tpu.memory_space<hbm>> -> memref<1x1x96xi32, #tpu.memory_space<hbm>>
      %dma_start3A_40 = tpu.memref_squeeze %dma_start3A_39 : memref<1x1x96xi32, #tpu.memory_space<hbm>> -> memref<96xi32, #tpu.memory_space<hbm>>
      %dma_start3A_41 = arith.constant 0 : i32
      %dma_start3A_42 = tpu.memref_slice %arg3[%add3A, %run_scoped3A_27, %dma_start3A_41] : memref<32x108x96xi32, #tpu.memory_space<hbm>> -> memref<1x1x96xi32, #tpu.memory_space<hbm>>
      %dma_start3A_43 = tpu.memref_squeeze %dma_start3A_42 : memref<1x1x96xi32, #tpu.memory_space<hbm>> -> memref<96xi32, #tpu.memory_space<hbm>>
      tpu.enqueue_dma source(%dma_start3A_43 : memref<96xi32, #tpu.memory_space<hbm>>) target(%arg10 : memref<96xi32, #tpu.memory_space<vmem>>) target_semaphore(%run_scoped3A_37 : memref<!tpu.dma_semaphore, #tpu.memory_space<semaphore_mem>>)
      %dma_wait3A_44 = arith.constant 0 : i32
      %dma_wait3A_45 = tpu.memref_slice %arg3[%add3A, %run_scoped3A_27, %dma_wait3A_44] : memref<32x108x96xi32, #tpu.memory_space<hbm>> -> memref<1x1x96xi32, #tpu.memory_space<hbm>>
      %dma_wait3A_46 = tpu.memref_squeeze %dma_wait3A_45 : memref<1x1x96xi32, #tpu.memory_space<hbm>> -> memref<96xi32, #tpu.memory_space<hbm>>
      %dma_wait3A_47 = arith.constant 0 : i32
      %dma_wait3A_48 = tpu.memref_slice %arg3[%add3A, %run_scoped3A_27, %dma_wait3A_47] : memref<32x108x96xi32, #tpu.memory_space<hbm>> -> memref<1x1x96xi32, #tpu.memory_space<hbm>>
      %dma_wait3A_49 = tpu.memref_squeeze %dma_wait3A_48 : memref<1x1x96xi32, #tpu.memory_space<hbm>> -> memref<96xi32, #tpu.memory_space<hbm>>
      tpu.wait_dma2 semaphore(%run_scoped3A_37 : memref<!tpu.dma_semaphore, #tpu.memory_space<semaphore_mem>>) src(%dma_wait3A_49 : memref<96xi32, #tpu.memory_space<hbm>>) dst(%arg10 : memref<96xi32, #tpu.memory_space<vmem>>)
      tpu.yield
    }) : () -> ()
    %dma_start3A_28 = arith.constant 0 : i32
    %dma_start3A_29 = arith.constant 0 : i32
    %dma_start3A_30 = tpu.memref_slice %arg2[%dma_start3A_28, %dma_start3A_29] : memref<10000x128xf32, #tpu.memory_space<hbm>> -> memref<10000x128xf32, #tpu.memory_space<hbm>>
    tpu.enqueue_indirect_dma source(%dma_start3A_30 : memref<10000x128xf32, #tpu.memory_space<hbm>>) target(%arg12 : memref<96x128xf32, #tpu.memory_space<vmem>>) offsets(%arg10 : memref<96xi32, #tpu.memory_space<vmem>>) semaphore(%arg15 : memref<!tpu.dma_semaphore, #tpu.memory_space<semaphore_mem>>)
    %scan3A_31 = arith.constant 0 : i32
    %scan3A_32 = arith.constant 54 : i32
    %scan3A_33 = arith.addi %scan3A_31, %scan3A_32 : i32
    %scan3A_34 = arith.constant 1 : i32
    scf.for %scan3A_37 = %scan3A_31 to %scan3A_33 step %scan3A_34  : i32 {
      %mul3A_38 = arith.constant 1 : i32
      %mul3A_39 = arith.muli %scan3A_37, %mul3A_38 : i32
      %add3A_40 = arith.constant 0 : i32
      %add3A_41 = arith.addi %add3A_40, %mul3A_39 : i32
      %mul3A_42 = arith.constant 2 : i32
      %mul3A_43 = arith.muli %mul3A_42, %add3A_41 : i32
      %add3A_44 = arith.constant 0 : i32
      %add3A_45 = arith.addi %mul3A_43, %add3A_44 : i32
      %dma_wait3A_46 = arith.constant 0 : i32
      %dma_wait3A_47 = arith.constant 0 : i32
      %dma_wait3A_48 = tpu.memref_slice %arg2[%dma_wait3A_46, %dma_wait3A_47] : memref<10000x128xf32, #tpu.memory_space<hbm>> -> memref<10000x128xf32, #tpu.memory_space<hbm>>
      tpu.wait_indirect_dma semaphore(%arg14 : memref<!tpu.dma_semaphore, #tpu.memory_space<semaphore_mem>>) src(%dma_wait3A_48 : memref<10000x128xf32, #tpu.memory_space<hbm>>) dst(%arg11 : memref<96x128xf32, #tpu.memory_space<vmem>>)
      %add3A_49 = arith.constant 2 : i32
      %add3A_50 = arith.addi %add3A_45, %add3A_49 : i32
      %lt3A = arith.constant 108 : i32
      %lt3A_51 = arith.cmpi slt, %add3A_50, %lt3A : i32
      %convert_element_type3A = arith.extui %lt3A_51 : i1 to i32
      %cond3A = arith.constant 0 : i32
      %cond3A_52 = arith.cmpi ne, %convert_element_type3A, %cond3A : i32
      scf.if %cond3A_52 {
        %add3A_89 = arith.constant 2 : i32
        %add3A_90 = arith.addi %add3A_45, %add3A_89 : i32
        %dma_start3A_91 = arith.constant 0 : i32
        %dma_start3A_92 = tpu.memref_slice %arg3[%add3A, %add3A_90, %dma_start3A_91] : memref<32x108x96xi32, #tpu.memory_space<hbm>> -> memref<1x1x96xi32, #tpu.memory_space<hbm>>
        %dma_start3A_93 = tpu.memref_squeeze %dma_start3A_92 : memref<1x1x96xi32, #tpu.memory_space<hbm>> -> memref<96xi32, #tpu.memory_space<hbm>>
        %dma_start3A_94 = arith.constant 0 : i32
        %dma_start3A_95 = tpu.memref_slice %arg3[%add3A, %add3A_90, %dma_start3A_94] : memref<32x108x96xi32, #tpu.memory_space<hbm>> -> memref<1x1x96xi32, #tpu.memory_space<hbm>>
        %dma_start3A_96 = tpu.memref_squeeze %dma_start3A_95 : memref<1x1x96xi32, #tpu.memory_space<hbm>> -> memref<96xi32, #tpu.memory_space<hbm>>
        tpu.enqueue_dma source(%dma_start3A_96 : memref<96xi32, #tpu.memory_space<hbm>>) target(%arg9 : memref<96xi32, #tpu.memory_space<vmem>>) target_semaphore(%arg16 : memref<!tpu.dma_semaphore, #tpu.memory_space<semaphore_mem>>)
      } else {
      }
      "tpu.region"() ({
        %run_scoped3A_89 = tpu.sem_alloc : memref<!tpu.dma_semaphore, #tpu.memory_space<semaphore_mem>>
        %dma_start3A_90 = arith.constant 0 : i32
        %dma_start3A_91 = tpu.memref_slice %arg8[%add3A_45, %dma_start3A_90] : memref<108x96xi32, #tpu.memory_space<vmem>> -> memref<1x96xi32, #tpu.memory_space<vmem>>
        %dma_start3A_92 = tpu.memref_squeeze %dma_start3A_91 : memref<1x96xi32, #tpu.memory_space<vmem>> -> memref<96xi32, #tpu.memory_space<vmem>>
        %dma_start3A_93 = arith.constant 0 : i32
        %dma_start3A_94 = arith.constant 0 : i32
        %dma_start3A_95 = tpu.memref_slice %arg13[%dma_start3A_93, %dma_start3A_94] : memref<10112x128xf32, #tpu.memory_space<vmem_shared>> -> memref<10112x128xf32, #tpu.memory_space<vmem_shared>>
        tpu.enqueue_indirect_dma source(%arg11 : memref<96x128xf32, #tpu.memory_space<vmem>>) target(%dma_start3A_95 : memref<10112x128xf32, #tpu.memory_space<vmem_shared>>) offsets(%dma_start3A_92 : memref<96xi32, #tpu.memory_space<vmem>>) semaphore(%run_scoped3A_89 : memref<!tpu.dma_semaphore, #tpu.memory_space<semaphore_mem>>) {add = true}
        %dma_wait3A_96 = arith.constant 0 : i32
        %dma_wait3A_97 = tpu.memref_slice %arg8[%add3A_45, %dma_wait3A_96] : memref<108x96xi32, #tpu.memory_space<vmem>> -> memref<1x96xi32, #tpu.memory_space<vmem>>
        %dma_wait3A_98 = tpu.memref_squeeze %dma_wait3A_97 : memref<1x96xi32, #tpu.memory_space<vmem>> -> memref<96xi32, #tpu.memory_space<vmem>>
        %dma_wait3A_99 = arith.constant 0 : i32
        %dma_wait3A_100 = arith.constant 0 : i32
        %dma_wait3A_101 = tpu.memref_slice %arg13[%dma_wait3A_99, %dma_wait3A_100] : memref<10112x128xf32, #tpu.memory_space<vmem_shared>> -> memref<10112x128xf32, #tpu.memory_space<vmem_shared>>
        tpu.wait_indirect_dma semaphore(%run_scoped3A_89 : memref<!tpu.dma_semaphore, #tpu.memory_space<semaphore_mem>>) src(%arg11 : memref<96x128xf32, #tpu.memory_space<vmem>>) dst(%dma_wait3A_101 : memref<10112x128xf32, #tpu.memory_space<vmem_shared>>)
        tpu.yield
      }) : () -> ()
      %add3A_53 = arith.constant 2 : i32
      %add3A_54 = arith.addi %add3A_45, %add3A_53 : i32
      %lt3A_55 = arith.constant 108 : i32
      %lt3A_56 = arith.cmpi slt, %add3A_54, %lt3A_55 : i32
      %convert_element_type3A_57 = arith.extui %lt3A_56 : i1 to i32
      %cond3A_58 = arith.constant 0 : i32
      %cond3A_59 = arith.cmpi ne, %convert_element_type3A_57, %cond3A_58 : i32
      scf.if %cond3A_59 {
        %add3A_89 = arith.constant 2 : i32
        %add3A_90 = arith.addi %add3A_45, %add3A_89 : i32
        %dma_wait3A_91 = arith.constant 0 : i32
        %dma_wait3A_92 = tpu.memref_slice %arg3[%add3A, %add3A_90, %dma_wait3A_91] : memref<32x108x96xi32, #tpu.memory_space<hbm>> -> memref<1x1x96xi32, #tpu.memory_space<hbm>>
        %dma_wait3A_93 = tpu.memref_squeeze %dma_wait3A_92 : memref<1x1x96xi32, #tpu.memory_space<hbm>> -> memref<96xi32, #tpu.memory_space<hbm>>
        %dma_wait3A_94 = arith.constant 0 : i32
        %dma_wait3A_95 = tpu.memref_slice %arg3[%add3A, %add3A_90, %dma_wait3A_94] : memref<32x108x96xi32, #tpu.memory_space<hbm>> -> memref<1x1x96xi32, #tpu.memory_space<hbm>>
        %dma_wait3A_96 = tpu.memref_squeeze %dma_wait3A_95 : memref<1x1x96xi32, #tpu.memory_space<hbm>> -> memref<96xi32, #tpu.memory_space<hbm>>
        tpu.wait_dma2 semaphore(%arg16 : memref<!tpu.dma_semaphore, #tpu.memory_space<semaphore_mem>>) src(%dma_wait3A_96 : memref<96xi32, #tpu.memory_space<hbm>>) dst(%arg9 : memref<96xi32, #tpu.memory_space<vmem>>)
        %dma_start3A_97 = arith.constant 0 : i32
        %dma_start3A_98 = arith.constant 0 : i32
        %dma_start3A_99 = tpu.memref_slice %arg2[%dma_start3A_97, %dma_start3A_98] : memref<10000x128xf32, #tpu.memory_space<hbm>> -> memref<10000x128xf32, #tpu.memory_space<hbm>>
        tpu.enqueue_indirect_dma source(%dma_start3A_99 : memref<10000x128xf32, #tpu.memory_space<hbm>>) target(%arg11 : memref<96x128xf32, #tpu.memory_space<vmem>>) offsets(%arg9 : memref<96xi32, #tpu.memory_space<vmem>>) semaphore(%arg14 : memref<!tpu.dma_semaphore, #tpu.memory_space<semaphore_mem>>)
      } else {
      }
      %scan3A_60 = arith.constant 0 : i32
      %scan3A_61 = arith.constant 6 : i32
      %scan3A_62 = arith.addi %scan3A_60, %scan3A_61 : i32
      %scan3A_63 = arith.constant 1 : i32
      scf.for %scan3A_89 = %scan3A_60 to %scan3A_62 step %scan3A_63  : i32 {
        %mul3A_90 = arith.constant 1 : i32
        %mul3A_91 = arith.muli %scan3A_89, %mul3A_90 : i32
        %add3A_92 = arith.constant 0 : i32
        %add3A_93 = arith.addi %add3A_92, %mul3A_91 : i32
        %mul3A_94 = arith.constant 16 : i32
        %mul3A_95 = arith.muli %add3A_93, %mul3A_94 : i32
        %get3A = arith.index_cast %add3A_45 : i32 to index
        %get3A_96 = arith.index_cast %mul3A_95 : i32 to index
        %get3A_97 = tpu.vector_load %arg8[%get3A, %get3A_96] {strides = array<i32>} : memref<108x96xi32, #tpu.memory_space<vmem>>, vector<16xi32>,
        tpu.vector_store_idx %arg18[%get3A_97], %broadcast_in_dim3A_5 {add = true} : memref<10112xf32, #tpu.memory_space<vmem>>[vector<16xi32>], vector<16xf32>,
      }
      %scan3A_64 = arith.constant 6 : i32
      %add3A_65 = arith.constant 1 : i32
      %add3A_66 = arith.addi %mul3A_43, %add3A_65 : i32
      %dma_wait3A_67 = arith.constant 0 : i32
      %dma_wait3A_68 = arith.constant 0 : i32
      %dma_wait3A_69 = tpu.memref_slice %arg2[%dma_wait3A_67, %dma_wait3A_68] : memref<10000x128xf32, #tpu.memory_space<hbm>> -> memref<10000x128xf32, #tpu.memory_space<hbm>>
      tpu.wait_indirect_dma semaphore(%arg15 : memref<!tpu.dma_semaphore, #tpu.memory_space<semaphore_mem>>) src(%dma_wait3A_69 : memref<10000x128xf32, #tpu.memory_space<hbm>>) dst(%arg12 : memref<96x128xf32, #tpu.memory_space<vmem>>)
      %add3A_70 = arith.constant 2 : i32
      %add3A_71 = arith.addi %add3A_66, %add3A_70 : i32
      %lt3A_72 = arith.constant 108 : i32
      %lt3A_73 = arith.cmpi slt, %add3A_71, %lt3A_72 : i32
      %convert_element_type3A_74 = arith.extui %lt3A_73 : i1 to i32
      %cond3A_75 = arith.constant 0 : i32
      %cond3A_76 = arith.cmpi ne, %convert_element_type3A_74, %cond3A_75 : i32
      scf.if %cond3A_76 {
        %add3A_89 = arith.constant 2 : i32
        %add3A_90 = arith.addi %add3A_66, %add3A_89 : i32
        %dma_start3A_91 = arith.constant 0 : i32
        %dma_start3A_92 = tpu.memref_slice %arg3[%add3A, %add3A_90, %dma_start3A_91] : memref<32x108x96xi32, #tpu.memory_space<hbm>> -> memref<1x1x96xi32, #tpu.memory_space<hbm>>
        %dma_start3A_93 = tpu.memref_squeeze %dma_start3A_92 : memref<1x1x96xi32, #tpu.memory_space<hbm>> -> memref<96xi32, #tpu.memory_space<hbm>>
        %dma_start3A_94 = arith.constant 0 : i32
        %dma_start3A_95 = tpu.memref_slice %arg3[%add3A, %add3A_90, %dma_start3A_94] : memref<32x108x96xi32, #tpu.memory_space<hbm>> -> memref<1x1x96xi32, #tpu.memory_space<hbm>>
        %dma_start3A_96 = tpu.memref_squeeze %dma_start3A_95 : memref<1x1x96xi32, #tpu.memory_space<hbm>> -> memref<96xi32, #tpu.memory_space<hbm>>
        tpu.enqueue_dma source(%dma_start3A_96 : memref<96xi32, #tpu.memory_space<hbm>>) target(%arg10 : memref<96xi32, #tpu.memory_space<vmem>>) target_semaphore(%arg17 : memref<!tpu.dma_semaphore, #tpu.memory_space<semaphore_mem>>)
      } else {
      }
      "tpu.region"() ({
        %run_scoped3A_89 = tpu.sem_alloc : memref<!tpu.dma_semaphore, #tpu.memory_space<semaphore_mem>>
        %dma_start3A_90 = arith.constant 0 : i32
        %dma_start3A_91 = tpu.memref_slice %arg8[%add3A_66, %dma_start3A_90] : memref<108x96xi32, #tpu.memory_space<vmem>> -> memref<1x96xi32, #tpu.memory_space<vmem>>
        %dma_start3A_92 = tpu.memref_squeeze %dma_start3A_91 : memref<1x96xi32, #tpu.memory_space<vmem>> -> memref<96xi32, #tpu.memory_space<vmem>>
        %dma_start3A_93 = arith.constant 0 : i32
        %dma_start3A_94 = arith.constant 0 : i32
        %dma_start3A_95 = tpu.memref_slice %arg13[%dma_start3A_93, %dma_start3A_94] : memref<10112x128xf32, #tpu.memory_space<vmem_shared>> -> memref<10112x128xf32, #tpu.memory_space<vmem_shared>>
        tpu.enqueue_indirect_dma source(%arg12 : memref<96x128xf32, #tpu.memory_space<vmem>>) target(%dma_start3A_95 : memref<10112x128xf32, #tpu.memory_space<vmem_shared>>) offsets(%dma_start3A_92 : memref<96xi32, #tpu.memory_space<vmem>>) semaphore(%run_scoped3A_89 : memref<!tpu.dma_semaphore, #tpu.memory_space<semaphore_mem>>) {add = true}
        %dma_wait3A_96 = arith.constant 0 : i32
        %dma_wait3A_97 = tpu.memref_slice %arg8[%add3A_66, %dma_wait3A_96] : memref<108x96xi32, #tpu.memory_space<vmem>> -> memref<1x96xi32, #tpu.memory_space<vmem>>
        %dma_wait3A_98 = tpu.memref_squeeze %dma_wait3A_97 : memref<1x96xi32, #tpu.memory_space<vmem>> -> memref<96xi32, #tpu.memory_space<vmem>>
        %dma_wait3A_99 = arith.constant 0 : i32
        %dma_wait3A_100 = arith.constant 0 : i32
        %dma_wait3A_101 = tpu.memref_slice %arg13[%dma_wait3A_99, %dma_wait3A_100] : memref<10112x128xf32, #tpu.memory_space<vmem_shared>> -> memref<10112x128xf32, #tpu.memory_space<vmem_shared>>
        tpu.wait_indirect_dma semaphore(%run_scoped3A_89 : memref<!tpu.dma_semaphore, #tpu.memory_space<semaphore_mem>>) src(%arg12 : memref<96x128xf32, #tpu.memory_space<vmem>>) dst(%dma_wait3A_101 : memref<10112x128xf32, #tpu.memory_space<vmem_shared>>)
        tpu.yield
      }) : () -> ()
      %add3A_77 = arith.constant 2 : i32
      %add3A_78 = arith.addi %add3A_66, %add3A_77 : i32
      %lt3A_79 = arith.constant 108 : i32
      %lt3A_80 = arith.cmpi slt, %add3A_78, %lt3A_79 : i32
      %convert_element_type3A_81 = arith.extui %lt3A_80 : i1 to i32
      %cond3A_82 = arith.constant 0 : i32
      %cond3A_83 = arith.cmpi ne, %convert_element_type3A_81, %cond3A_82 : i32
      scf.if %cond3A_83 {
        %add3A_89 = arith.constant 2 : i32
        %add3A_90 = arith.addi %add3A_66, %add3A_89 : i32
        %dma_wait3A_91 = arith.constant 0 : i32
        %dma_wait3A_92 = tpu.memref_slice %arg3[%add3A, %add3A_90, %dma_wait3A_91] : memref<32x108x96xi32, #tpu.memory_space<hbm>> -> memref<1x1x96xi32, #tpu.memory_space<hbm>>
        %dma_wait3A_93 = tpu.memref_squeeze %dma_wait3A_92 : memref<1x1x96xi32, #tpu.memory_space<hbm>> -> memref<96xi32, #tpu.memory_space<hbm>>
        %dma_wait3A_94 = arith.constant 0 : i32
        %dma_wait3A_95 = tpu.memref_slice %arg3[%add3A, %add3A_90, %dma_wait3A_94] : memref<32x108x96xi32, #tpu.memory_space<hbm>> -> memref<1x1x96xi32, #tpu.memory_space<hbm>>
        %dma_wait3A_96 = tpu.memref_squeeze %dma_wait3A_95 : memref<1x1x96xi32, #tpu.memory_space<hbm>> -> memref<96xi32, #tpu.memory_space<hbm>>
        tpu.wait_dma2 semaphore(%arg17 : memref<!tpu.dma_semaphore, #tpu.memory_space<semaphore_mem>>) src(%dma_wait3A_96 : memref<96xi32, #tpu.memory_space<hbm>>) dst(%arg10 : memref<96xi32, #tpu.memory_space<vmem>>)
        %dma_start3A_97 = arith.constant 0 : i32
        %dma_start3A_98 = arith.constant 0 : i32
        %dma_start3A_99 = tpu.memref_slice %arg2[%dma_start3A_97, %dma_start3A_98] : memref<10000x128xf32, #tpu.memory_space<hbm>> -> memref<10000x128xf32, #tpu.memory_space<hbm>>
        tpu.enqueue_indirect_dma source(%dma_start3A_99 : memref<10000x128xf32, #tpu.memory_space<hbm>>) target(%arg12 : memref<96x128xf32, #tpu.memory_space<vmem>>) offsets(%arg10 : memref<96xi32, #tpu.memory_space<vmem>>) semaphore(%arg15 : memref<!tpu.dma_semaphore, #tpu.memory_space<semaphore_mem>>)
      } else {
      }
      %scan3A_84 = arith.constant 0 : i32
      %scan3A_85 = arith.constant 6 : i32
      %scan3A_86 = arith.addi %scan3A_84, %scan3A_85 : i32
      %scan3A_87 = arith.constant 1 : i32
      scf.for %scan3A_89 = %scan3A_84 to %scan3A_86 step %scan3A_87  : i32 {
        %mul3A_90 = arith.constant 1 : i32
        %mul3A_91 = arith.muli %scan3A_89, %mul3A_90 : i32
        %add3A_92 = arith.constant 0 : i32
        %add3A_93 = arith.addi %add3A_92, %mul3A_91 : i32
        %mul3A_94 = arith.constant 16 : i32
        %mul3A_95 = arith.muli %add3A_93, %mul3A_94 : i32
        %get3A = arith.index_cast %add3A_66 : i32 to index
        %get3A_96 = arith.index_cast %mul3A_95 : i32 to index
        %get3A_97 = tpu.vector_load %arg8[%get3A, %get3A_96] {strides = array<i32>} : memref<108x96xi32, #tpu.memory_space<vmem>>, vector<16xi32>,
        tpu.vector_store_idx %arg18[%get3A_97], %broadcast_in_dim3A_5 {add = true} : memref<10112xf32, #tpu.memory_space<vmem>>[vector<16xi32>], vector<16xf32>,
      }
      %scan3A_88 = arith.constant 6 : i32
    }
    %scan3A_35 = arith.constant 54 : i32
    %barrier3A_36 = arith.constant 0 : index
    tpu.barrier barrier_id(%barrier3A_36)
    "tpu.region"() ({
      %run_scoped3A_37 = tpu.sem_alloc : memref<!tpu.dma_semaphore, #tpu.memory_space<semaphore_mem>>
      %dma_start3A_38 = arith.constant 0 : i32
      %dma_start3A_39 = tpu.memref_slice %arg6[%arg0, %mul3A_2, %dma_start3A_38] : memref<2x10112x128xf32, #tpu.memory_space<hbm>> -> memref<1x632x128xf32, #tpu.memory_space<hbm>>
      %dma_start3A_40 = tpu.memref_squeeze %dma_start3A_39 : memref<1x632x128xf32, #tpu.memory_space<hbm>> -> memref<632x128xf32, #tpu.memory_space<hbm>>
      %dma_start3A_41 = arith.constant 0 : i32
      %dma_start3A_42 = tpu.memref_slice %arg13[%mul3A_2, %dma_start3A_41] : memref<10112x128xf32, #tpu.memory_space<vmem_shared>> -> memref<632x128xf32, #tpu.memory_space<vmem_shared>>
      tpu.enqueue_dma source(%dma_start3A_42 : memref<632x128xf32, #tpu.memory_space<vmem_shared>>) target(%dma_start3A_40 : memref<632x128xf32, #tpu.memory_space<hbm>>) target_semaphore(%run_scoped3A_37 : memref<!tpu.dma_semaphore, #tpu.memory_space<semaphore_mem>>)
      %dma_wait3A_43 = arith.constant 0 : i32
      %dma_wait3A_44 = tpu.memref_slice %arg6[%arg0, %mul3A_2, %dma_wait3A_43] : memref<2x10112x128xf32, #tpu.memory_space<hbm>> -> memref<1x632x128xf32, #tpu.memory_space<hbm>>
      %dma_wait3A_45 = tpu.memref_squeeze %dma_wait3A_44 : memref<1x632x128xf32, #tpu.memory_space<hbm>> -> memref<632x128xf32, #tpu.memory_space<hbm>>
      %dma_wait3A_46 = arith.constant 0 : i32
      %dma_wait3A_47 = tpu.memref_slice %arg13[%mul3A_2, %dma_wait3A_46] : memref<10112x128xf32, #tpu.memory_space<vmem_shared>> -> memref<632x128xf32, #tpu.memory_space<vmem_shared>>
      tpu.wait_dma2 semaphore(%run_scoped3A_37 : memref<!tpu.dma_semaphore, #tpu.memory_space<semaphore_mem>>) src(%dma_wait3A_47 : memref<632x128xf32, #tpu.memory_space<vmem_shared>>) dst(%dma_wait3A_45 : memref<632x128xf32, #tpu.memory_space<hbm>>)
      tpu.yield
    }) : () -> ()
    "tpu.region"() ({
      %run_scoped3A_37 = tpu.sem_alloc : memref<!tpu.dma_semaphore, #tpu.memory_space<semaphore_mem>>
      %dma_start3A_38 = arith.constant 0 : i32
      %dma_start3A_39 = tpu.memref_slice %arg7[%add3A, %dma_start3A_38] : memref<32x10112xf32, #tpu.memory_space<hbm>> -> memref<1x10112xf32, #tpu.memory_space<hbm>>
      %dma_start3A_40 = tpu.memref_squeeze %dma_start3A_39 : memref<1x10112xf32, #tpu.memory_space<hbm>> -> memref<10112xf32, #tpu.memory_space<hbm>>
      %dma_start3A_41 = arith.constant 0 : i32
      %dma_start3A_42 = tpu.memref_slice %arg7[%add3A, %dma_start3A_41] : memref<32x10112xf32, #tpu.memory_space<hbm>> -> memref<1x10112xf32, #tpu.memory_space<hbm>>
      %dma_start3A_43 = tpu.memref_squeeze %dma_start3A_42 : memref<1x10112xf32, #tpu.memory_space<hbm>> -> memref<10112xf32, #tpu.memory_space<hbm>>
      tpu.enqueue_dma source(%arg18 : memref<10112xf32, #tpu.memory_space<vmem>>) target(%dma_start3A_43 : memref<10112xf32, #tpu.memory_space<hbm>>) target_semaphore(%run_scoped3A_37 : memref<!tpu.dma_semaphore, #tpu.memory_space<semaphore_mem>>)
      %dma_wait3A_44 = arith.constant 0 : i32
      %dma_wait3A_45 = tpu.memref_slice %arg7[%add3A, %dma_wait3A_44] : memref<32x10112xf32, #tpu.memory_space<hbm>> -> memref<1x10112xf32, #tpu.memory_space<hbm>>
      %dma_wait3A_46 = tpu.memref_squeeze %dma_wait3A_45 : memref<1x10112xf32, #tpu.memory_space<hbm>> -> memref<10112xf32, #tpu.memory_space<hbm>>
      %dma_wait3A_47 = arith.constant 0 : i32
      %dma_wait3A_48 = tpu.memref_slice %arg7[%add3A, %dma_wait3A_47] : memref<32x10112xf32, #tpu.memory_space<hbm>> -> memref<1x10112xf32, #tpu.memory_space<hbm>>
      %dma_wait3A_49 = tpu.memref_squeeze %dma_wait3A_48 : memref<1x10112xf32, #tpu.memory_space<hbm>> -> memref<10112xf32, #tpu.memory_space<hbm>>
      tpu.wait_dma2 semaphore(%run_scoped3A_37 : memref<!tpu.dma_semaphore, #tpu.memory_space<semaphore_mem>>) src(%arg18 : memref<10112xf32, #tpu.memory_space<vmem>>) dst(%dma_wait3A_49 : memref<10112xf32, #tpu.memory_space<hbm>>)
      tpu.yield
    }) : () -> ()
    return
  }
}

#map = affine_map<(d0, d1) -> (0, 0)>
#map1 = affine_map<(d0, d1) -> (0, 0, 0)>
module attributes {stable_mosaic.version = 14 : i64} {
  func.func @body(%arg0: i32, %arg1: i32, %arg2: memref<10000x128xf32, #tpu.memory_space<hbm>>, %arg3: memref<32x129x80xi32, #tpu.memory_space<hbm>>, %arg4: memref<32x129x80xi32, #tpu.memory_space<hbm>>, %arg5: memref<10112x128xf32, #tpu.memory_space<hbm>>, %arg6: memref<2x10112x128xf32, #tpu.memory_space<hbm>>, %arg7: memref<129x80xi32, #tpu.memory_space<vmem>>, %arg8: memref<80xi32, #tpu.memory_space<vmem>>, %arg9: memref<80xi32, #tpu.memory_space<vmem>>, %arg10: memref<80xi32, #tpu.memory_space<vmem>>, %arg11: memref<80x128xf32, #tpu.memory_space<vmem>>, %arg12: memref<80x128xf32, #tpu.memory_space<vmem>>, %arg13: memref<80x128xf32, #tpu.memory_space<vmem>>, %arg14: memref<10112x128xf32, #tpu.memory_space<vmem_shared>>, %arg15: memref<!tpu.dma_semaphore, #tpu.memory_space<semaphore_mem>>, %arg16: memref<!tpu.dma_semaphore, #tpu.memory_space<semaphore_mem>>, %arg17: memref<!tpu.dma_semaphore, #tpu.memory_space<semaphore_mem>>, %arg18: memref<!tpu.dma_semaphore, #tpu.memory_space<semaphore_mem>>, %arg19: memref<!tpu.dma_semaphore, #tpu.memory_space<semaphore_mem>>, %arg20: memref<!tpu.dma_semaphore, #tpu.memory_space<semaphore_mem>>) attributes {dimension_semantics = [#tpu.dimension_semantics<core_parallel>, #tpu.dimension_semantics<subcore_parallel>], iteration_bounds = array<i64: 2, 16>, scalar_prefetch = 0 : i64, scratch_operands = 14 : i64, tpu.core_type = #tpu.core_type<sc_vector_subcore>, window_params = [{transform_indices = #map}, {transform_indices = #map1}, {transform_indices = #map1}, {transform_indices = #map}, {transform_indices = #map1}]} {
    %mul3A = arith.constant 16 : i32
    %mul3A_0 = arith.muli %arg0, %mul3A : i32
    %add3A = arith.addi %mul3A_0, %arg1 : i32
    %mul3A_1 = arith.constant 632 : i32
    %mul3A_2 = arith.muli %arg1, %mul3A_1 : i32
    %broadcast_in_dim3A = arith.constant 0.000000e+00 : f32
    %broadcast_in_dim3A_3 = vector.broadcast %broadcast_in_dim3A : f32 to vector<16xf32>
    %broadcast_in_dim3A_4 = arith.constant 1.000000e+00 : f32
    %broadcast_in_dim3A_5 = vector.broadcast %broadcast_in_dim3A_4 : f32 to vector<16xf32>
    %dma_start3A = arith.constant 0 : i32
    %dma_start3A_6 = arith.constant 0 : i32
    %dma_start3A_7 = tpu.memref_slice %arg4[%add3A, %dma_start3A, %dma_start3A_6] : memref<32x129x80xi32, #tpu.memory_space<hbm>> -> memref<1x129x80xi32, #tpu.memory_space<hbm>>
    %dma_start3A_8 = tpu.memref_squeeze %dma_start3A_7 : memref<1x129x80xi32, #tpu.memory_space<hbm>> -> memref<129x80xi32, #tpu.memory_space<hbm>>
    %dma_start3A_9 = arith.constant 0 : i32
    %dma_start3A_10 = arith.constant 0 : i32
    %dma_start3A_11 = tpu.memref_slice %arg4[%add3A, %dma_start3A_9, %dma_start3A_10] : memref<32x129x80xi32, #tpu.memory_space<hbm>> -> memref<1x129x80xi32, #tpu.memory_space<hbm>>
    %dma_start3A_12 = tpu.memref_squeeze %dma_start3A_11 : memref<1x129x80xi32, #tpu.memory_space<hbm>> -> memref<129x80xi32, #tpu.memory_space<hbm>>
    tpu.enqueue_dma source(%dma_start3A_12 : memref<129x80xi32, #tpu.memory_space<hbm>>) target(%arg7 : memref<129x80xi32, #tpu.memory_space<vmem>>) target_semaphore(%arg15 : memref<!tpu.dma_semaphore, #tpu.memory_space<semaphore_mem>>)
    "tpu.region"() ({
      %run_scoped3A_36 = tpu.sem_alloc : memref<!tpu.dma_semaphore, #tpu.memory_space<semaphore_mem>>
      %dma_start3A_37 = arith.constant 0 : i32
      %dma_start3A_38 = tpu.memref_slice %arg14[%mul3A_2, %dma_start3A_37] : memref<10112x128xf32, #tpu.memory_space<vmem_shared>> -> memref<632x128xf32, #tpu.memory_space<vmem_shared>>
      %dma_start3A_39 = arith.constant 0 : i32
      %dma_start3A_40 = tpu.memref_slice %arg5[%mul3A_2, %dma_start3A_39] : memref<10112x128xf32, #tpu.memory_space<hbm>> -> memref<632x128xf32, #tpu.memory_space<hbm>>
      tpu.enqueue_dma source(%dma_start3A_40 : memref<632x128xf32, #tpu.memory_space<hbm>>) target(%dma_start3A_38 : memref<632x128xf32, #tpu.memory_space<vmem_shared>>) target_semaphore(%run_scoped3A_36 : memref<!tpu.dma_semaphore, #tpu.memory_space<semaphore_mem>>)
      %dma_wait3A_41 = arith.constant 0 : i32
      %dma_wait3A_42 = tpu.memref_slice %arg14[%mul3A_2, %dma_wait3A_41] : memref<10112x128xf32, #tpu.memory_space<vmem_shared>> -> memref<632x128xf32, #tpu.memory_space<vmem_shared>>
      %dma_wait3A_43 = arith.constant 0 : i32
      %dma_wait3A_44 = tpu.memref_slice %arg5[%mul3A_2, %dma_wait3A_43] : memref<10112x128xf32, #tpu.memory_space<hbm>> -> memref<632x128xf32, #tpu.memory_space<hbm>>
      tpu.wait_dma2 semaphore(%run_scoped3A_36 : memref<!tpu.dma_semaphore, #tpu.memory_space<semaphore_mem>>) src(%dma_wait3A_44 : memref<632x128xf32, #tpu.memory_space<hbm>>) dst(%dma_wait3A_42 : memref<632x128xf32, #tpu.memory_space<vmem_shared>>)
      tpu.yield
    }) : () -> ()
    %dma_wait3A = arith.constant 0 : i32
    %dma_wait3A_13 = arith.constant 0 : i32
    %dma_wait3A_14 = tpu.memref_slice %arg4[%add3A, %dma_wait3A, %dma_wait3A_13] : memref<32x129x80xi32, #tpu.memory_space<hbm>> -> memref<1x129x80xi32, #tpu.memory_space<hbm>>
    %dma_wait3A_15 = tpu.memref_squeeze %dma_wait3A_14 : memref<1x129x80xi32, #tpu.memory_space<hbm>> -> memref<129x80xi32, #tpu.memory_space<hbm>>
    %dma_wait3A_16 = arith.constant 0 : i32
    %dma_wait3A_17 = arith.constant 0 : i32
    %dma_wait3A_18 = tpu.memref_slice %arg4[%add3A, %dma_wait3A_16, %dma_wait3A_17] : memref<32x129x80xi32, #tpu.memory_space<hbm>> -> memref<1x129x80xi32, #tpu.memory_space<hbm>>
    %dma_wait3A_19 = tpu.memref_squeeze %dma_wait3A_18 : memref<1x129x80xi32, #tpu.memory_space<hbm>> -> memref<129x80xi32, #tpu.memory_space<hbm>>
    tpu.wait_dma2 semaphore(%arg15 : memref<!tpu.dma_semaphore, #tpu.memory_space<semaphore_mem>>) src(%dma_wait3A_19 : memref<129x80xi32, #tpu.memory_space<hbm>>) dst(%arg7 : memref<129x80xi32, #tpu.memory_space<vmem>>)
    %barrier3A = arith.constant 0 : index
    tpu.barrier barrier_id(%barrier3A)
    %run_scoped3A = arith.constant 0 : i32
    "tpu.region"() ({
      %run_scoped3A_36 = tpu.sem_alloc : memref<!tpu.dma_semaphore, #tpu.memory_space<semaphore_mem>>
      %dma_start3A_37 = arith.constant 0 : i32
      %dma_start3A_38 = tpu.memref_slice %arg3[%add3A, %run_scoped3A, %dma_start3A_37] : memref<32x129x80xi32, #tpu.memory_space<hbm>> -> memref<1x1x80xi32, #tpu.memory_space<hbm>>
      %dma_start3A_39 = tpu.memref_squeeze %dma_start3A_38 : memref<1x1x80xi32, #tpu.memory_space<hbm>> -> memref<80xi32, #tpu.memory_space<hbm>>
      %dma_start3A_40 = arith.constant 0 : i32
      %dma_start3A_41 = tpu.memref_slice %arg3[%add3A, %run_scoped3A, %dma_start3A_40] : memref<32x129x80xi32, #tpu.memory_space<hbm>> -> memref<1x1x80xi32, #tpu.memory_space<hbm>>
      %dma_start3A_42 = tpu.memref_squeeze %dma_start3A_41 : memref<1x1x80xi32, #tpu.memory_space<hbm>> -> memref<80xi32, #tpu.memory_space<hbm>>
      tpu.enqueue_dma source(%dma_start3A_42 : memref<80xi32, #tpu.memory_space<hbm>>) target(%arg8 : memref<80xi32, #tpu.memory_space<vmem>>) target_semaphore(%run_scoped3A_36 : memref<!tpu.dma_semaphore, #tpu.memory_space<semaphore_mem>>)
      %dma_wait3A_43 = arith.constant 0 : i32
      %dma_wait3A_44 = tpu.memref_slice %arg3[%add3A, %run_scoped3A, %dma_wait3A_43] : memref<32x129x80xi32, #tpu.memory_space<hbm>> -> memref<1x1x80xi32, #tpu.memory_space<hbm>>
      %dma_wait3A_45 = tpu.memref_squeeze %dma_wait3A_44 : memref<1x1x80xi32, #tpu.memory_space<hbm>> -> memref<80xi32, #tpu.memory_space<hbm>>
      %dma_wait3A_46 = arith.constant 0 : i32
      %dma_wait3A_47 = tpu.memref_slice %arg3[%add3A, %run_scoped3A, %dma_wait3A_46] : memref<32x129x80xi32, #tpu.memory_space<hbm>> -> memref<1x1x80xi32, #tpu.memory_space<hbm>>
      %dma_wait3A_48 = tpu.memref_squeeze %dma_wait3A_47 : memref<1x1x80xi32, #tpu.memory_space<hbm>> -> memref<80xi32, #tpu.memory_space<hbm>>
      tpu.wait_dma2 semaphore(%run_scoped3A_36 : memref<!tpu.dma_semaphore, #tpu.memory_space<semaphore_mem>>) src(%dma_wait3A_48 : memref<80xi32, #tpu.memory_space<hbm>>) dst(%arg8 : memref<80xi32, #tpu.memory_space<vmem>>)
      tpu.yield
    }) : () -> ()
    %dma_start3A_20 = arith.constant 0 : i32
    %dma_start3A_21 = arith.constant 0 : i32
    %dma_start3A_22 = tpu.memref_slice %arg2[%dma_start3A_20, %dma_start3A_21] : memref<10000x128xf32, #tpu.memory_space<hbm>> -> memref<10000x128xf32, #tpu.memory_space<hbm>>
    tpu.enqueue_indirect_dma source(%dma_start3A_22 : memref<10000x128xf32, #tpu.memory_space<hbm>>) target(%arg11 : memref<80x128xf32, #tpu.memory_space<vmem>>) offsets(%arg8 : memref<80xi32, #tpu.memory_space<vmem>>) semaphore(%arg15 : memref<!tpu.dma_semaphore, #tpu.memory_space<semaphore_mem>>)
    %run_scoped3A_23 = arith.constant 1 : i32
    "tpu.region"() ({
      %run_scoped3A_36 = tpu.sem_alloc : memref<!tpu.dma_semaphore, #tpu.memory_space<semaphore_mem>>
      %dma_start3A_37 = arith.constant 0 : i32
      %dma_start3A_38 = tpu.memref_slice %arg3[%add3A, %run_scoped3A_23, %dma_start3A_37] : memref<32x129x80xi32, #tpu.memory_space<hbm>> -> memref<1x1x80xi32, #tpu.memory_space<hbm>>
      %dma_start3A_39 = tpu.memref_squeeze %dma_start3A_38 : memref<1x1x80xi32, #tpu.memory_space<hbm>> -> memref<80xi32, #tpu.memory_space<hbm>>
      %dma_start3A_40 = arith.constant 0 : i32
      %dma_start3A_41 = tpu.memref_slice %arg3[%add3A, %run_scoped3A_23, %dma_start3A_40] : memref<32x129x80xi32, #tpu.memory_space<hbm>> -> memref<1x1x80xi32, #tpu.memory_space<hbm>>
      %dma_start3A_42 = tpu.memref_squeeze %dma_start3A_41 : memref<1x1x80xi32, #tpu.memory_space<hbm>> -> memref<80xi32, #tpu.memory_space<hbm>>
      tpu.enqueue_dma source(%dma_start3A_42 : memref<80xi32, #tpu.memory_space<hbm>>) target(%arg9 : memref<80xi32, #tpu.memory_space<vmem>>) target_semaphore(%run_scoped3A_36 : memref<!tpu.dma_semaphore, #tpu.memory_space<semaphore_mem>>)
      %dma_wait3A_43 = arith.constant 0 : i32
      %dma_wait3A_44 = tpu.memref_slice %arg3[%add3A, %run_scoped3A_23, %dma_wait3A_43] : memref<32x129x80xi32, #tpu.memory_space<hbm>> -> memref<1x1x80xi32, #tpu.memory_space<hbm>>
      %dma_wait3A_45 = tpu.memref_squeeze %dma_wait3A_44 : memref<1x1x80xi32, #tpu.memory_space<hbm>> -> memref<80xi32, #tpu.memory_space<hbm>>
      %dma_wait3A_46 = arith.constant 0 : i32
      %dma_wait3A_47 = tpu.memref_slice %arg3[%add3A, %run_scoped3A_23, %dma_wait3A_46] : memref<32x129x80xi32, #tpu.memory_space<hbm>> -> memref<1x1x80xi32, #tpu.memory_space<hbm>>
      %dma_wait3A_48 = tpu.memref_squeeze %dma_wait3A_47 : memref<1x1x80xi32, #tpu.memory_space<hbm>> -> memref<80xi32, #tpu.memory_space<hbm>>
      tpu.wait_dma2 semaphore(%run_scoped3A_36 : memref<!tpu.dma_semaphore, #tpu.memory_space<semaphore_mem>>) src(%dma_wait3A_48 : memref<80xi32, #tpu.memory_space<hbm>>) dst(%arg9 : memref<80xi32, #tpu.memory_space<vmem>>)
      tpu.yield
    }) : () -> ()
    %dma_start3A_24 = arith.constant 0 : i32
    %dma_start3A_25 = arith.constant 0 : i32
    %dma_start3A_26 = tpu.memref_slice %arg2[%dma_start3A_24, %dma_start3A_25] : memref<10000x128xf32, #tpu.memory_space<hbm>> -> memref<10000x128xf32, #tpu.memory_space<hbm>>
    tpu.enqueue_indirect_dma source(%dma_start3A_26 : memref<10000x128xf32, #tpu.memory_space<hbm>>) target(%arg12 : memref<80x128xf32, #tpu.memory_space<vmem>>) offsets(%arg9 : memref<80xi32, #tpu.memory_space<vmem>>) semaphore(%arg16 : memref<!tpu.dma_semaphore, #tpu.memory_space<semaphore_mem>>)
    %run_scoped3A_27 = arith.constant 2 : i32
    "tpu.region"() ({
      %run_scoped3A_36 = tpu.sem_alloc : memref<!tpu.dma_semaphore, #tpu.memory_space<semaphore_mem>>
      %dma_start3A_37 = arith.constant 0 : i32
      %dma_start3A_38 = tpu.memref_slice %arg3[%add3A, %run_scoped3A_27, %dma_start3A_37] : memref<32x129x80xi32, #tpu.memory_space<hbm>> -> memref<1x1x80xi32, #tpu.memory_space<hbm>>
      %dma_start3A_39 = tpu.memref_squeeze %dma_start3A_38 : memref<1x1x80xi32, #tpu.memory_space<hbm>> -> memref<80xi32, #tpu.memory_space<hbm>>
      %dma_start3A_40 = arith.constant 0 : i32
      %dma_start3A_41 = tpu.memref_slice %arg3[%add3A, %run_scoped3A_27, %dma_start3A_40] : memref<32x129x80xi32, #tpu.memory_space<hbm>> -> memref<1x1x80xi32, #tpu.memory_space<hbm>>
      %dma_start3A_42 = tpu.memref_squeeze %dma_start3A_41 : memref<1x1x80xi32, #tpu.memory_space<hbm>> -> memref<80xi32, #tpu.memory_space<hbm>>
      tpu.enqueue_dma source(%dma_start3A_42 : memref<80xi32, #tpu.memory_space<hbm>>) target(%arg10 : memref<80xi32, #tpu.memory_space<vmem>>) target_semaphore(%run_scoped3A_36 : memref<!tpu.dma_semaphore, #tpu.memory_space<semaphore_mem>>)
      %dma_wait3A_43 = arith.constant 0 : i32
      %dma_wait3A_44 = tpu.memref_slice %arg3[%add3A, %run_scoped3A_27, %dma_wait3A_43] : memref<32x129x80xi32, #tpu.memory_space<hbm>> -> memref<1x1x80xi32, #tpu.memory_space<hbm>>
      %dma_wait3A_45 = tpu.memref_squeeze %dma_wait3A_44 : memref<1x1x80xi32, #tpu.memory_space<hbm>> -> memref<80xi32, #tpu.memory_space<hbm>>
      %dma_wait3A_46 = arith.constant 0 : i32
      %dma_wait3A_47 = tpu.memref_slice %arg3[%add3A, %run_scoped3A_27, %dma_wait3A_46] : memref<32x129x80xi32, #tpu.memory_space<hbm>> -> memref<1x1x80xi32, #tpu.memory_space<hbm>>
      %dma_wait3A_48 = tpu.memref_squeeze %dma_wait3A_47 : memref<1x1x80xi32, #tpu.memory_space<hbm>> -> memref<80xi32, #tpu.memory_space<hbm>>
      tpu.wait_dma2 semaphore(%run_scoped3A_36 : memref<!tpu.dma_semaphore, #tpu.memory_space<semaphore_mem>>) src(%dma_wait3A_48 : memref<80xi32, #tpu.memory_space<hbm>>) dst(%arg10 : memref<80xi32, #tpu.memory_space<vmem>>)
      tpu.yield
    }) : () -> ()
    %dma_start3A_28 = arith.constant 0 : i32
    %dma_start3A_29 = arith.constant 0 : i32
    %dma_start3A_30 = tpu.memref_slice %arg2[%dma_start3A_28, %dma_start3A_29] : memref<10000x128xf32, #tpu.memory_space<hbm>> -> memref<10000x128xf32, #tpu.memory_space<hbm>>
    tpu.enqueue_indirect_dma source(%dma_start3A_30 : memref<10000x128xf32, #tpu.memory_space<hbm>>) target(%arg13 : memref<80x128xf32, #tpu.memory_space<vmem>>) offsets(%arg10 : memref<80xi32, #tpu.memory_space<vmem>>) semaphore(%arg17 : memref<!tpu.dma_semaphore, #tpu.memory_space<semaphore_mem>>)
    %scan3A = arith.constant 0 : i32
    %scan3A_31 = arith.constant 43 : i32
    %scan3A_32 = arith.addi %scan3A, %scan3A_31 : i32
    %scan3A_33 = arith.constant 1 : i32
    scf.for %scan3A_36 = %scan3A to %scan3A_32 step %scan3A_33  : i32 {
      %mul3A_37 = arith.constant 1 : i32
      %mul3A_38 = arith.muli %scan3A_36, %mul3A_37 : i32
      %add3A_39 = arith.constant 0 : i32
      %add3A_40 = arith.addi %add3A_39, %mul3A_38 : i32
      %mul3A_41 = arith.constant 3 : i32
      %mul3A_42 = arith.muli %mul3A_41, %add3A_40 : i32
      %add3A_43 = arith.constant 0 : i32
      %add3A_44 = arith.addi %mul3A_42, %add3A_43 : i32
      %dma_wait3A_45 = arith.constant 0 : i32
      %dma_wait3A_46 = arith.constant 0 : i32
      %dma_wait3A_47 = tpu.memref_slice %arg2[%dma_wait3A_45, %dma_wait3A_46] : memref<10000x128xf32, #tpu.memory_space<hbm>> -> memref<10000x128xf32, #tpu.memory_space<hbm>>
      tpu.wait_indirect_dma semaphore(%arg15 : memref<!tpu.dma_semaphore, #tpu.memory_space<semaphore_mem>>) src(%dma_wait3A_47 : memref<10000x128xf32, #tpu.memory_space<hbm>>) dst(%arg11 : memref<80x128xf32, #tpu.memory_space<vmem>>)
      %add3A_48 = arith.constant 3 : i32
      %add3A_49 = arith.addi %add3A_44, %add3A_48 : i32
      %lt3A = arith.constant 129 : i32
      %lt3A_50 = arith.cmpi slt, %add3A_49, %lt3A : i32
      %convert_element_type3A = arith.extui %lt3A_50 : i1 to i32
      %cond3A = arith.constant 0 : i32
      %cond3A_51 = arith.cmpi ne, %convert_element_type3A, %cond3A : i32
      scf.if %cond3A_51 {
        %add3A_97 = arith.constant 3 : i32
        %add3A_98 = arith.addi %add3A_44, %add3A_97 : i32
        %dma_start3A_99 = arith.constant 0 : i32
        %dma_start3A_100 = tpu.memref_slice %arg3[%add3A, %add3A_98, %dma_start3A_99] : memref<32x129x80xi32, #tpu.memory_space<hbm>> -> memref<1x1x80xi32, #tpu.memory_space<hbm>>
        %dma_start3A_101 = tpu.memref_squeeze %dma_start3A_100 : memref<1x1x80xi32, #tpu.memory_space<hbm>> -> memref<80xi32, #tpu.memory_space<hbm>>
        %dma_start3A_102 = arith.constant 0 : i32
        %dma_start3A_103 = tpu.memref_slice %arg3[%add3A, %add3A_98, %dma_start3A_102] : memref<32x129x80xi32, #tpu.memory_space<hbm>> -> memref<1x1x80xi32, #tpu.memory_space<hbm>>
        %dma_start3A_104 = tpu.memref_squeeze %dma_start3A_103 : memref<1x1x80xi32, #tpu.memory_space<hbm>> -> memref<80xi32, #tpu.memory_space<hbm>>
        tpu.enqueue_dma source(%dma_start3A_104 : memref<80xi32, #tpu.memory_space<hbm>>) target(%arg8 : memref<80xi32, #tpu.memory_space<vmem>>) target_semaphore(%arg18 : memref<!tpu.dma_semaphore, #tpu.memory_space<semaphore_mem>>)
      } else {
      }
      "tpu.region"() ({
        %run_scoped3A_97 = tpu.sem_alloc : memref<!tpu.dma_semaphore, #tpu.memory_space<semaphore_mem>>
        %dma_start3A_98 = arith.constant 0 : i32
        %dma_start3A_99 = tpu.memref_slice %arg7[%add3A_44, %dma_start3A_98] : memref<129x80xi32, #tpu.memory_space<vmem>> -> memref<1x80xi32, #tpu.memory_space<vmem>>
        %dma_start3A_100 = tpu.memref_squeeze %dma_start3A_99 : memref<1x80xi32, #tpu.memory_space<vmem>> -> memref<80xi32, #tpu.memory_space<vmem>>
        %dma_start3A_101 = arith.constant 0 : i32
        %dma_start3A_102 = arith.constant 0 : i32
        %dma_start3A_103 = tpu.memref_slice %arg14[%dma_start3A_101, %dma_start3A_102] : memref<10112x128xf32, #tpu.memory_space<vmem_shared>> -> memref<10112x128xf32, #tpu.memory_space<vmem_shared>>
        tpu.enqueue_indirect_dma source(%arg11 : memref<80x128xf32, #tpu.memory_space<vmem>>) target(%dma_start3A_103 : memref<10112x128xf32, #tpu.memory_space<vmem_shared>>) offsets(%dma_start3A_100 : memref<80xi32, #tpu.memory_space<vmem>>) semaphore(%run_scoped3A_97 : memref<!tpu.dma_semaphore, #tpu.memory_space<semaphore_mem>>) {add = true}
        %dma_wait3A_104 = arith.constant 0 : i32
        %dma_wait3A_105 = tpu.memref_slice %arg7[%add3A_44, %dma_wait3A_104] : memref<129x80xi32, #tpu.memory_space<vmem>> -> memref<1x80xi32, #tpu.memory_space<vmem>>
        %dma_wait3A_106 = tpu.memref_squeeze %dma_wait3A_105 : memref<1x80xi32, #tpu.memory_space<vmem>> -> memref<80xi32, #tpu.memory_space<vmem>>
        %dma_wait3A_107 = arith.constant 0 : i32
        %dma_wait3A_108 = arith.constant 0 : i32
        %dma_wait3A_109 = tpu.memref_slice %arg14[%dma_wait3A_107, %dma_wait3A_108] : memref<10112x128xf32, #tpu.memory_space<vmem_shared>> -> memref<10112x128xf32, #tpu.memory_space<vmem_shared>>
        tpu.wait_indirect_dma semaphore(%run_scoped3A_97 : memref<!tpu.dma_semaphore, #tpu.memory_space<semaphore_mem>>) src(%arg11 : memref<80x128xf32, #tpu.memory_space<vmem>>) dst(%dma_wait3A_109 : memref<10112x128xf32, #tpu.memory_space<vmem_shared>>)
        tpu.yield
      }) : () -> ()
      %add3A_52 = arith.constant 3 : i32
      %add3A_53 = arith.addi %add3A_44, %add3A_52 : i32
      %lt3A_54 = arith.constant 129 : i32
      %lt3A_55 = arith.cmpi slt, %add3A_53, %lt3A_54 : i32
      %convert_element_type3A_56 = arith.extui %lt3A_55 : i1 to i32
      %cond3A_57 = arith.constant 0 : i32
      %cond3A_58 = arith.cmpi ne, %convert_element_type3A_56, %cond3A_57 : i32
      scf.if %cond3A_58 {
        %add3A_97 = arith.constant 3 : i32
        %add3A_98 = arith.addi %add3A_44, %add3A_97 : i32
        %dma_wait3A_99 = arith.constant 0 : i32
        %dma_wait3A_100 = tpu.memref_slice %arg3[%add3A, %add3A_98, %dma_wait3A_99] : memref<32x129x80xi32, #tpu.memory_space<hbm>> -> memref<1x1x80xi32, #tpu.memory_space<hbm>>
        %dma_wait3A_101 = tpu.memref_squeeze %dma_wait3A_100 : memref<1x1x80xi32, #tpu.memory_space<hbm>> -> memref<80xi32, #tpu.memory_space<hbm>>
        %dma_wait3A_102 = arith.constant 0 : i32
        %dma_wait3A_103 = tpu.memref_slice %arg3[%add3A, %add3A_98, %dma_wait3A_102] : memref<32x129x80xi32, #tpu.memory_space<hbm>> -> memref<1x1x80xi32, #tpu.memory_space<hbm>>
        %dma_wait3A_104 = tpu.memref_squeeze %dma_wait3A_103 : memref<1x1x80xi32, #tpu.memory_space<hbm>> -> memref<80xi32, #tpu.memory_space<hbm>>
        tpu.wait_dma2 semaphore(%arg18 : memref<!tpu.dma_semaphore, #tpu.memory_space<semaphore_mem>>) src(%dma_wait3A_104 : memref<80xi32, #tpu.memory_space<hbm>>) dst(%arg8 : memref<80xi32, #tpu.memory_space<vmem>>)
        %dma_start3A_105 = arith.constant 0 : i32
        %dma_start3A_106 = arith.constant 0 : i32
        %dma_start3A_107 = tpu.memref_slice %arg2[%dma_start3A_105, %dma_start3A_106] : memref<10000x128xf32, #tpu.memory_space<hbm>> -> memref<10000x128xf32, #tpu.memory_space<hbm>>
        tpu.enqueue_indirect_dma source(%dma_start3A_107 : memref<10000x128xf32, #tpu.memory_space<hbm>>) target(%arg11 : memref<80x128xf32, #tpu.memory_space<vmem>>) offsets(%arg8 : memref<80xi32, #tpu.memory_space<vmem>>) semaphore(%arg15 : memref<!tpu.dma_semaphore, #tpu.memory_space<semaphore_mem>>)
      } else {
      }
      %add3A_59 = arith.constant 1 : i32
      %add3A_60 = arith.addi %mul3A_42, %add3A_59 : i32
      %dma_wait3A_61 = arith.constant 0 : i32
      %dma_wait3A_62 = arith.constant 0 : i32
      %dma_wait3A_63 = tpu.memref_slice %arg2[%dma_wait3A_61, %dma_wait3A_62] : memref<10000x128xf32, #tpu.memory_space<hbm>> -> memref<10000x128xf32, #tpu.memory_space<hbm>>
      tpu.wait_indirect_dma semaphore(%arg16 : memref<!tpu.dma_semaphore, #tpu.memory_space<semaphore_mem>>) src(%dma_wait3A_63 : memref<10000x128xf32, #tpu.memory_space<hbm>>) dst(%arg12 : memref<80x128xf32, #tpu.memory_space<vmem>>)
      %add3A_64 = arith.constant 3 : i32
      %add3A_65 = arith.addi %add3A_60, %add3A_64 : i32
      %lt3A_66 = arith.constant 129 : i32
      %lt3A_67 = arith.cmpi slt, %add3A_65, %lt3A_66 : i32
      %convert_element_type3A_68 = arith.extui %lt3A_67 : i1 to i32
      %cond3A_69 = arith.constant 0 : i32
      %cond3A_70 = arith.cmpi ne, %convert_element_type3A_68, %cond3A_69 : i32
      scf.if %cond3A_70 {
        %add3A_97 = arith.constant 3 : i32
        %add3A_98 = arith.addi %add3A_60, %add3A_97 : i32
        %dma_start3A_99 = arith.constant 0 : i32
        %dma_start3A_100 = tpu.memref_slice %arg3[%add3A, %add3A_98, %dma_start3A_99] : memref<32x129x80xi32, #tpu.memory_space<hbm>> -> memref<1x1x80xi32, #tpu.memory_space<hbm>>
        %dma_start3A_101 = tpu.memref_squeeze %dma_start3A_100 : memref<1x1x80xi32, #tpu.memory_space<hbm>> -> memref<80xi32, #tpu.memory_space<hbm>>
        %dma_start3A_102 = arith.constant 0 : i32
        %dma_start3A_103 = tpu.memref_slice %arg3[%add3A, %add3A_98, %dma_start3A_102] : memref<32x129x80xi32, #tpu.memory_space<hbm>> -> memref<1x1x80xi32, #tpu.memory_space<hbm>>
        %dma_start3A_104 = tpu.memref_squeeze %dma_start3A_103 : memref<1x1x80xi32, #tpu.memory_space<hbm>> -> memref<80xi32, #tpu.memory_space<hbm>>
        tpu.enqueue_dma source(%dma_start3A_104 : memref<80xi32, #tpu.memory_space<hbm>>) target(%arg9 : memref<80xi32, #tpu.memory_space<vmem>>) target_semaphore(%arg19 : memref<!tpu.dma_semaphore, #tpu.memory_space<semaphore_mem>>)
      } else {
      }
      "tpu.region"() ({
        %run_scoped3A_97 = tpu.sem_alloc : memref<!tpu.dma_semaphore, #tpu.memory_space<semaphore_mem>>
        %dma_start3A_98 = arith.constant 0 : i32
        %dma_start3A_99 = tpu.memref_slice %arg7[%add3A_60, %dma_start3A_98] : memref<129x80xi32, #tpu.memory_space<vmem>> -> memref<1x80xi32, #tpu.memory_space<vmem>>
        %dma_start3A_100 = tpu.memref_squeeze %dma_start3A_99 : memref<1x80xi32, #tpu.memory_space<vmem>> -> memref<80xi32, #tpu.memory_space<vmem>>
        %dma_start3A_101 = arith.constant 0 : i32
        %dma_start3A_102 = arith.constant 0 : i32
        %dma_start3A_103 = tpu.memref_slice %arg14[%dma_start3A_101, %dma_start3A_102] : memref<10112x128xf32, #tpu.memory_space<vmem_shared>> -> memref<10112x128xf32, #tpu.memory_space<vmem_shared>>
        tpu.enqueue_indirect_dma source(%arg12 : memref<80x128xf32, #tpu.memory_space<vmem>>) target(%dma_start3A_103 : memref<10112x128xf32, #tpu.memory_space<vmem_shared>>) offsets(%dma_start3A_100 : memref<80xi32, #tpu.memory_space<vmem>>) semaphore(%run_scoped3A_97 : memref<!tpu.dma_semaphore, #tpu.memory_space<semaphore_mem>>) {add = true}
        %dma_wait3A_104 = arith.constant 0 : i32
        %dma_wait3A_105 = tpu.memref_slice %arg7[%add3A_60, %dma_wait3A_104] : memref<129x80xi32, #tpu.memory_space<vmem>> -> memref<1x80xi32, #tpu.memory_space<vmem>>
        %dma_wait3A_106 = tpu.memref_squeeze %dma_wait3A_105 : memref<1x80xi32, #tpu.memory_space<vmem>> -> memref<80xi32, #tpu.memory_space<vmem>>
        %dma_wait3A_107 = arith.constant 0 : i32
        %dma_wait3A_108 = arith.constant 0 : i32
        %dma_wait3A_109 = tpu.memref_slice %arg14[%dma_wait3A_107, %dma_wait3A_108] : memref<10112x128xf32, #tpu.memory_space<vmem_shared>> -> memref<10112x128xf32, #tpu.memory_space<vmem_shared>>
        tpu.wait_indirect_dma semaphore(%run_scoped3A_97 : memref<!tpu.dma_semaphore, #tpu.memory_space<semaphore_mem>>) src(%arg12 : memref<80x128xf32, #tpu.memory_space<vmem>>) dst(%dma_wait3A_109 : memref<10112x128xf32, #tpu.memory_space<vmem_shared>>)
        tpu.yield
      }) : () -> ()
      %add3A_71 = arith.constant 3 : i32
      %add3A_72 = arith.addi %add3A_60, %add3A_71 : i32
      %lt3A_73 = arith.constant 129 : i32
      %lt3A_74 = arith.cmpi slt, %add3A_72, %lt3A_73 : i32
      %convert_element_type3A_75 = arith.extui %lt3A_74 : i1 to i32
      %cond3A_76 = arith.constant 0 : i32
      %cond3A_77 = arith.cmpi ne, %convert_element_type3A_75, %cond3A_76 : i32
      scf.if %cond3A_77 {
        %add3A_97 = arith.constant 3 : i32
        %add3A_98 = arith.addi %add3A_60, %add3A_97 : i32
        %dma_wait3A_99 = arith.constant 0 : i32
        %dma_wait3A_100 = tpu.memref_slice %arg3[%add3A, %add3A_98, %dma_wait3A_99] : memref<32x129x80xi32, #tpu.memory_space<hbm>> -> memref<1x1x80xi32, #tpu.memory_space<hbm>>
        %dma_wait3A_101 = tpu.memref_squeeze %dma_wait3A_100 : memref<1x1x80xi32, #tpu.memory_space<hbm>> -> memref<80xi32, #tpu.memory_space<hbm>>
        %dma_wait3A_102 = arith.constant 0 : i32
        %dma_wait3A_103 = tpu.memref_slice %arg3[%add3A, %add3A_98, %dma_wait3A_102] : memref<32x129x80xi32, #tpu.memory_space<hbm>> -> memref<1x1x80xi32, #tpu.memory_space<hbm>>
        %dma_wait3A_104 = tpu.memref_squeeze %dma_wait3A_103 : memref<1x1x80xi32, #tpu.memory_space<hbm>> -> memref<80xi32, #tpu.memory_space<hbm>>
        tpu.wait_dma2 semaphore(%arg19 : memref<!tpu.dma_semaphore, #tpu.memory_space<semaphore_mem>>) src(%dma_wait3A_104 : memref<80xi32, #tpu.memory_space<hbm>>) dst(%arg9 : memref<80xi32, #tpu.memory_space<vmem>>)
        %dma_start3A_105 = arith.constant 0 : i32
        %dma_start3A_106 = arith.constant 0 : i32
        %dma_start3A_107 = tpu.memref_slice %arg2[%dma_start3A_105, %dma_start3A_106] : memref<10000x128xf32, #tpu.memory_space<hbm>> -> memref<10000x128xf32, #tpu.memory_space<hbm>>
        tpu.enqueue_indirect_dma source(%dma_start3A_107 : memref<10000x128xf32, #tpu.memory_space<hbm>>) target(%arg12 : memref<80x128xf32, #tpu.memory_space<vmem>>) offsets(%arg9 : memref<80xi32, #tpu.memory_space<vmem>>) semaphore(%arg16 : memref<!tpu.dma_semaphore, #tpu.memory_space<semaphore_mem>>)
      } else {
      }
      %add3A_78 = arith.constant 2 : i32
      %add3A_79 = arith.addi %mul3A_42, %add3A_78 : i32
      %dma_wait3A_80 = arith.constant 0 : i32
      %dma_wait3A_81 = arith.constant 0 : i32
      %dma_wait3A_82 = tpu.memref_slice %arg2[%dma_wait3A_80, %dma_wait3A_81] : memref<10000x128xf32, #tpu.memory_space<hbm>> -> memref<10000x128xf32, #tpu.memory_space<hbm>>
      tpu.wait_indirect_dma semaphore(%arg17 : memref<!tpu.dma_semaphore, #tpu.memory_space<semaphore_mem>>) src(%dma_wait3A_82 : memref<10000x128xf32, #tpu.memory_space<hbm>>) dst(%arg13 : memref<80x128xf32, #tpu.memory_space<vmem>>)
      %add3A_83 = arith.constant 3 : i32
      %add3A_84 = arith.addi %add3A_79, %add3A_83 : i32
      %lt3A_85 = arith.constant 129 : i32
      %lt3A_86 = arith.cmpi slt, %add3A_84, %lt3A_85 : i32
      %convert_element_type3A_87 = arith.extui %lt3A_86 : i1 to i32
      %cond3A_88 = arith.constant 0 : i32
      %cond3A_89 = arith.cmpi ne, %convert_element_type3A_87, %cond3A_88 : i32
      scf.if %cond3A_89 {
        %add3A_97 = arith.constant 3 : i32
        %add3A_98 = arith.addi %add3A_79, %add3A_97 : i32
        %dma_start3A_99 = arith.constant 0 : i32
        %dma_start3A_100 = tpu.memref_slice %arg3[%add3A, %add3A_98, %dma_start3A_99] : memref<32x129x80xi32, #tpu.memory_space<hbm>> -> memref<1x1x80xi32, #tpu.memory_space<hbm>>
        %dma_start3A_101 = tpu.memref_squeeze %dma_start3A_100 : memref<1x1x80xi32, #tpu.memory_space<hbm>> -> memref<80xi32, #tpu.memory_space<hbm>>
        %dma_start3A_102 = arith.constant 0 : i32
        %dma_start3A_103 = tpu.memref_slice %arg3[%add3A, %add3A_98, %dma_start3A_102] : memref<32x129x80xi32, #tpu.memory_space<hbm>> -> memref<1x1x80xi32, #tpu.memory_space<hbm>>
        %dma_start3A_104 = tpu.memref_squeeze %dma_start3A_103 : memref<1x1x80xi32, #tpu.memory_space<hbm>> -> memref<80xi32, #tpu.memory_space<hbm>>
        tpu.enqueue_dma source(%dma_start3A_104 : memref<80xi32, #tpu.memory_space<hbm>>) target(%arg10 : memref<80xi32, #tpu.memory_space<vmem>>) target_semaphore(%arg20 : memref<!tpu.dma_semaphore, #tpu.memory_space<semaphore_mem>>)
      } else {
      }
      "tpu.region"() ({
        %run_scoped3A_97 = tpu.sem_alloc : memref<!tpu.dma_semaphore, #tpu.memory_space<semaphore_mem>>
        %dma_start3A_98 = arith.constant 0 : i32
        %dma_start3A_99 = tpu.memref_slice %arg7[%add3A_79, %dma_start3A_98] : memref<129x80xi32, #tpu.memory_space<vmem>> -> memref<1x80xi32, #tpu.memory_space<vmem>>
        %dma_start3A_100 = tpu.memref_squeeze %dma_start3A_99 : memref<1x80xi32, #tpu.memory_space<vmem>> -> memref<80xi32, #tpu.memory_space<vmem>>
        %dma_start3A_101 = arith.constant 0 : i32
        %dma_start3A_102 = arith.constant 0 : i32
        %dma_start3A_103 = tpu.memref_slice %arg14[%dma_start3A_101, %dma_start3A_102] : memref<10112x128xf32, #tpu.memory_space<vmem_shared>> -> memref<10112x128xf32, #tpu.memory_space<vmem_shared>>
        tpu.enqueue_indirect_dma source(%arg13 : memref<80x128xf32, #tpu.memory_space<vmem>>) target(%dma_start3A_103 : memref<10112x128xf32, #tpu.memory_space<vmem_shared>>) offsets(%dma_start3A_100 : memref<80xi32, #tpu.memory_space<vmem>>) semaphore(%run_scoped3A_97 : memref<!tpu.dma_semaphore, #tpu.memory_space<semaphore_mem>>) {add = true}
        %dma_wait3A_104 = arith.constant 0 : i32
        %dma_wait3A_105 = tpu.memref_slice %arg7[%add3A_79, %dma_wait3A_104] : memref<129x80xi32, #tpu.memory_space<vmem>> -> memref<1x80xi32, #tpu.memory_space<vmem>>
        %dma_wait3A_106 = tpu.memref_squeeze %dma_wait3A_105 : memref<1x80xi32, #tpu.memory_space<vmem>> -> memref<80xi32, #tpu.memory_space<vmem>>
        %dma_wait3A_107 = arith.constant 0 : i32
        %dma_wait3A_108 = arith.constant 0 : i32
        %dma_wait3A_109 = tpu.memref_slice %arg14[%dma_wait3A_107, %dma_wait3A_108] : memref<10112x128xf32, #tpu.memory_space<vmem_shared>> -> memref<10112x128xf32, #tpu.memory_space<vmem_shared>>
        tpu.wait_indirect_dma semaphore(%run_scoped3A_97 : memref<!tpu.dma_semaphore, #tpu.memory_space<semaphore_mem>>) src(%arg13 : memref<80x128xf32, #tpu.memory_space<vmem>>) dst(%dma_wait3A_109 : memref<10112x128xf32, #tpu.memory_space<vmem_shared>>)
        tpu.yield
      }) : () -> ()
      %add3A_90 = arith.constant 3 : i32
      %add3A_91 = arith.addi %add3A_79, %add3A_90 : i32
      %lt3A_92 = arith.constant 129 : i32
      %lt3A_93 = arith.cmpi slt, %add3A_91, %lt3A_92 : i32
      %convert_element_type3A_94 = arith.extui %lt3A_93 : i1 to i32
      %cond3A_95 = arith.constant 0 : i32
      %cond3A_96 = arith.cmpi ne, %convert_element_type3A_94, %cond3A_95 : i32
      scf.if %cond3A_96 {
        %add3A_97 = arith.constant 3 : i32
        %add3A_98 = arith.addi %add3A_79, %add3A_97 : i32
        %dma_wait3A_99 = arith.constant 0 : i32
        %dma_wait3A_100 = tpu.memref_slice %arg3[%add3A, %add3A_98, %dma_wait3A_99] : memref<32x129x80xi32, #tpu.memory_space<hbm>> -> memref<1x1x80xi32, #tpu.memory_space<hbm>>
        %dma_wait3A_101 = tpu.memref_squeeze %dma_wait3A_100 : memref<1x1x80xi32, #tpu.memory_space<hbm>> -> memref<80xi32, #tpu.memory_space<hbm>>
        %dma_wait3A_102 = arith.constant 0 : i32
        %dma_wait3A_103 = tpu.memref_slice %arg3[%add3A, %add3A_98, %dma_wait3A_102] : memref<32x129x80xi32, #tpu.memory_space<hbm>> -> memref<1x1x80xi32, #tpu.memory_space<hbm>>
        %dma_wait3A_104 = tpu.memref_squeeze %dma_wait3A_103 : memref<1x1x80xi32, #tpu.memory_space<hbm>> -> memref<80xi32, #tpu.memory_space<hbm>>
        tpu.wait_dma2 semaphore(%arg20 : memref<!tpu.dma_semaphore, #tpu.memory_space<semaphore_mem>>) src(%dma_wait3A_104 : memref<80xi32, #tpu.memory_space<hbm>>) dst(%arg10 : memref<80xi32, #tpu.memory_space<vmem>>)
        %dma_start3A_105 = arith.constant 0 : i32
        %dma_start3A_106 = arith.constant 0 : i32
        %dma_start3A_107 = tpu.memref_slice %arg2[%dma_start3A_105, %dma_start3A_106] : memref<10000x128xf32, #tpu.memory_space<hbm>> -> memref<10000x128xf32, #tpu.memory_space<hbm>>
        tpu.enqueue_indirect_dma source(%dma_start3A_107 : memref<10000x128xf32, #tpu.memory_space<hbm>>) target(%arg13 : memref<80x128xf32, #tpu.memory_space<vmem>>) offsets(%arg10 : memref<80xi32, #tpu.memory_space<vmem>>) semaphore(%arg17 : memref<!tpu.dma_semaphore, #tpu.memory_space<semaphore_mem>>)
      } else {
      }
    }
    %scan3A_34 = arith.constant 43 : i32
    %barrier3A_35 = arith.constant 0 : index
    tpu.barrier barrier_id(%barrier3A_35)
    "tpu.region"() ({
      %run_scoped3A_36 = tpu.sem_alloc : memref<!tpu.dma_semaphore, #tpu.memory_space<semaphore_mem>>
      %dma_start3A_37 = arith.constant 0 : i32
      %dma_start3A_38 = tpu.memref_slice %arg6[%arg0, %mul3A_2, %dma_start3A_37] : memref<2x10112x128xf32, #tpu.memory_space<hbm>> -> memref<1x632x128xf32, #tpu.memory_space<hbm>>
      %dma_start3A_39 = tpu.memref_squeeze %dma_start3A_38 : memref<1x632x128xf32, #tpu.memory_space<hbm>> -> memref<632x128xf32, #tpu.memory_space<hbm>>
      %dma_start3A_40 = arith.constant 0 : i32
      %dma_start3A_41 = tpu.memref_slice %arg14[%mul3A_2, %dma_start3A_40] : memref<10112x128xf32, #tpu.memory_space<vmem_shared>> -> memref<632x128xf32, #tpu.memory_space<vmem_shared>>
      tpu.enqueue_dma source(%dma_start3A_41 : memref<632x128xf32, #tpu.memory_space<vmem_shared>>) target(%dma_start3A_39 : memref<632x128xf32, #tpu.memory_space<hbm>>) target_semaphore(%run_scoped3A_36 : memref<!tpu.dma_semaphore, #tpu.memory_space<semaphore_mem>>)
      %dma_wait3A_42 = arith.constant 0 : i32
      %dma_wait3A_43 = tpu.memref_slice %arg6[%arg0, %mul3A_2, %dma_wait3A_42] : memref<2x10112x128xf32, #tpu.memory_space<hbm>> -> memref<1x632x128xf32, #tpu.memory_space<hbm>>
      %dma_wait3A_44 = tpu.memref_squeeze %dma_wait3A_43 : memref<1x632x128xf32, #tpu.memory_space<hbm>> -> memref<632x128xf32, #tpu.memory_space<hbm>>
      %dma_wait3A_45 = arith.constant 0 : i32
      %dma_wait3A_46 = tpu.memref_slice %arg14[%mul3A_2, %dma_wait3A_45] : memref<10112x128xf32, #tpu.memory_space<vmem_shared>> -> memref<632x128xf32, #tpu.memory_space<vmem_shared>>
      tpu.wait_dma2 semaphore(%run_scoped3A_36 : memref<!tpu.dma_semaphore, #tpu.memory_space<semaphore_mem>>) src(%dma_wait3A_46 : memref<632x128xf32, #tpu.memory_space<vmem_shared>>) dst(%dma_wait3A_44 : memref<632x128xf32, #tpu.memory_space<hbm>>)
      tpu.yield
    }) : () -> ()
    return
  }
}

#map = affine_map<(d0, d1) -> (0, 0)>
#map1 = affine_map<(d0, d1) -> (0, 0, 0)>
module attributes {stable_mosaic.version = 14 : i64} {
  func.func @body(%arg0: i32, %arg1: i32, %arg2: memref<10000x128xf32, #tpu.memory_space<hbm>>, %arg3: memref<32x129x80xi32, #tpu.memory_space<hbm>>, %arg4: memref<32x129x80xi32, #tpu.memory_space<hbm>>, %arg5: memref<10112x128xf32, #tpu.memory_space<hbm>>, %arg6: memref<2x10112x128xf32, #tpu.memory_space<hbm>>, %arg7: memref<129x80xi32, #tpu.memory_space<vmem>>, %arg8: memref<80xi32, #tpu.memory_space<vmem>>, %arg9: memref<80xi32, #tpu.memory_space<vmem>>, %arg10: memref<80xi32, #tpu.memory_space<vmem>>, %arg11: memref<80x128xf32, #tpu.memory_space<vmem>>, %arg12: memref<80x128xf32, #tpu.memory_space<vmem>>, %arg13: memref<80x128xf32, #tpu.memory_space<vmem>>, %arg14: memref<10112x128xf32, #tpu.memory_space<vmem_shared>>, %arg15: memref<!tpu.dma_semaphore, #tpu.memory_space<semaphore_mem>>, %arg16: memref<!tpu.dma_semaphore, #tpu.memory_space<semaphore_mem>>, %arg17: memref<!tpu.dma_semaphore, #tpu.memory_space<semaphore_mem>>, %arg18: memref<!tpu.dma_semaphore, #tpu.memory_space<semaphore_mem>>, %arg19: memref<!tpu.dma_semaphore, #tpu.memory_space<semaphore_mem>>, %arg20: memref<!tpu.dma_semaphore, #tpu.memory_space<semaphore_mem>>) attributes {dimension_semantics = [#tpu.dimension_semantics<core_parallel>, #tpu.dimension_semantics<subcore_parallel>], iteration_bounds = array<i64: 2, 16>, scalar_prefetch = 0 : i64, scratch_operands = 14 : i64, tpu.core_type = #tpu.core_type<sc_vector_subcore>, window_params = [{transform_indices = #map}, {transform_indices = #map1}, {transform_indices = #map1}, {transform_indices = #map}, {transform_indices = #map1}]} {
    %mul3A = arith.constant 16 : i32
    %mul3A_0 = arith.muli %arg0, %mul3A : i32
    %add3A = arith.addi %mul3A_0, %arg1 : i32
    %mul3A_1 = arith.constant 632 : i32
    %mul3A_2 = arith.muli %arg1, %mul3A_1 : i32
    %broadcast_in_dim3A = arith.constant 0.000000e+00 : f32
    %broadcast_in_dim3A_3 = vector.broadcast %broadcast_in_dim3A : f32 to vector<16xf32>
    %broadcast_in_dim3A_4 = arith.constant 1.000000e+00 : f32
    %broadcast_in_dim3A_5 = vector.broadcast %broadcast_in_dim3A_4 : f32 to vector<16xf32>
    %dma_start3A = arith.constant 0 : i32
    %dma_start3A_6 = arith.constant 0 : i32
    %dma_start3A_7 = tpu.memref_slice %arg4[%add3A, %dma_start3A, %dma_start3A_6] : memref<32x129x80xi32, #tpu.memory_space<hbm>> -> memref<1x129x80xi32, #tpu.memory_space<hbm>>
    %dma_start3A_8 = tpu.memref_squeeze %dma_start3A_7 : memref<1x129x80xi32, #tpu.memory_space<hbm>> -> memref<129x80xi32, #tpu.memory_space<hbm>>
    %dma_start3A_9 = arith.constant 0 : i32
    %dma_start3A_10 = arith.constant 0 : i32
    %dma_start3A_11 = tpu.memref_slice %arg4[%add3A, %dma_start3A_9, %dma_start3A_10] : memref<32x129x80xi32, #tpu.memory_space<hbm>> -> memref<1x129x80xi32, #tpu.memory_space<hbm>>
    %dma_start3A_12 = tpu.memref_squeeze %dma_start3A_11 : memref<1x129x80xi32, #tpu.memory_space<hbm>> -> memref<129x80xi32, #tpu.memory_space<hbm>>
    tpu.enqueue_dma source(%dma_start3A_12 : memref<129x80xi32, #tpu.memory_space<hbm>>) target(%arg7 : memref<129x80xi32, #tpu.memory_space<vmem>>) target_semaphore(%arg15 : memref<!tpu.dma_semaphore, #tpu.memory_space<semaphore_mem>>)
    "tpu.region"() ({
      %run_scoped3A_36 = tpu.sem_alloc : memref<!tpu.dma_semaphore, #tpu.memory_space<semaphore_mem>>
      %dma_start3A_37 = arith.constant 0 : i32
      %dma_start3A_38 = tpu.memref_slice %arg14[%mul3A_2, %dma_start3A_37] : memref<10112x128xf32, #tpu.memory_space<vmem_shared>> -> memref<632x128xf32, #tpu.memory_space<vmem_shared>>
      %dma_start3A_39 = arith.constant 0 : i32
      %dma_start3A_40 = tpu.memref_slice %arg5[%mul3A_2, %dma_start3A_39] : memref<10112x128xf32, #tpu.memory_space<hbm>> -> memref<632x128xf32, #tpu.memory_space<hbm>>
      tpu.enqueue_dma source(%dma_start3A_40 : memref<632x128xf32, #tpu.memory_space<hbm>>) target(%dma_start3A_38 : memref<632x128xf32, #tpu.memory_space<vmem_shared>>) target_semaphore(%run_scoped3A_36 : memref<!tpu.dma_semaphore, #tpu.memory_space<semaphore_mem>>)
      %dma_wait3A_41 = arith.constant 0 : i32
      %dma_wait3A_42 = tpu.memref_slice %arg14[%mul3A_2, %dma_wait3A_41] : memref<10112x128xf32, #tpu.memory_space<vmem_shared>> -> memref<632x128xf32, #tpu.memory_space<vmem_shared>>
      %dma_wait3A_43 = arith.constant 0 : i32
      %dma_wait3A_44 = tpu.memref_slice %arg5[%mul3A_2, %dma_wait3A_43] : memref<10112x128xf32, #tpu.memory_space<hbm>> -> memref<632x128xf32, #tpu.memory_space<hbm>>
      tpu.wait_dma2 semaphore(%run_scoped3A_36 : memref<!tpu.dma_semaphore, #tpu.memory_space<semaphore_mem>>) src(%dma_wait3A_44 : memref<632x128xf32, #tpu.memory_space<hbm>>) dst(%dma_wait3A_42 : memref<632x128xf32, #tpu.memory_space<vmem_shared>>)
      tpu.yield
    }) : () -> ()
    %dma_wait3A = arith.constant 0 : i32
    %dma_wait3A_13 = arith.constant 0 : i32
    %dma_wait3A_14 = tpu.memref_slice %arg4[%add3A, %dma_wait3A, %dma_wait3A_13] : memref<32x129x80xi32, #tpu.memory_space<hbm>> -> memref<1x129x80xi32, #tpu.memory_space<hbm>>
    %dma_wait3A_15 = tpu.memref_squeeze %dma_wait3A_14 : memref<1x129x80xi32, #tpu.memory_space<hbm>> -> memref<129x80xi32, #tpu.memory_space<hbm>>
    %dma_wait3A_16 = arith.constant 0 : i32
    %dma_wait3A_17 = arith.constant 0 : i32
    %dma_wait3A_18 = tpu.memref_slice %arg4[%add3A, %dma_wait3A_16, %dma_wait3A_17] : memref<32x129x80xi32, #tpu.memory_space<hbm>> -> memref<1x129x80xi32, #tpu.memory_space<hbm>>
    %dma_wait3A_19 = tpu.memref_squeeze %dma_wait3A_18 : memref<1x129x80xi32, #tpu.memory_space<hbm>> -> memref<129x80xi32, #tpu.memory_space<hbm>>
    tpu.wait_dma2 semaphore(%arg15 : memref<!tpu.dma_semaphore, #tpu.memory_space<semaphore_mem>>) src(%dma_wait3A_19 : memref<129x80xi32, #tpu.memory_space<hbm>>) dst(%arg7 : memref<129x80xi32, #tpu.memory_space<vmem>>)
    %barrier3A = arith.constant 0 : index
    tpu.barrier barrier_id(%barrier3A)
    %run_scoped3A = arith.constant 0 : i32
    "tpu.region"() ({
      %run_scoped3A_36 = tpu.sem_alloc : memref<!tpu.dma_semaphore, #tpu.memory_space<semaphore_mem>>
      %dma_start3A_37 = arith.constant 0 : i32
      %dma_start3A_38 = tpu.memref_slice %arg3[%add3A, %run_scoped3A, %dma_start3A_37] : memref<32x129x80xi32, #tpu.memory_space<hbm>> -> memref<1x1x80xi32, #tpu.memory_space<hbm>>
      %dma_start3A_39 = tpu.memref_squeeze %dma_start3A_38 : memref<1x1x80xi32, #tpu.memory_space<hbm>> -> memref<80xi32, #tpu.memory_space<hbm>>
      %dma_start3A_40 = arith.constant 0 : i32
      %dma_start3A_41 = tpu.memref_slice %arg3[%add3A, %run_scoped3A, %dma_start3A_40] : memref<32x129x80xi32, #tpu.memory_space<hbm>> -> memref<1x1x80xi32, #tpu.memory_space<hbm>>
      %dma_start3A_42 = tpu.memref_squeeze %dma_start3A_41 : memref<1x1x80xi32, #tpu.memory_space<hbm>> -> memref<80xi32, #tpu.memory_space<hbm>>
      tpu.enqueue_dma source(%dma_start3A_42 : memref<80xi32, #tpu.memory_space<hbm>>) target(%arg8 : memref<80xi32, #tpu.memory_space<vmem>>) target_semaphore(%run_scoped3A_36 : memref<!tpu.dma_semaphore, #tpu.memory_space<semaphore_mem>>)
      %dma_wait3A_43 = arith.constant 0 : i32
      %dma_wait3A_44 = tpu.memref_slice %arg3[%add3A, %run_scoped3A, %dma_wait3A_43] : memref<32x129x80xi32, #tpu.memory_space<hbm>> -> memref<1x1x80xi32, #tpu.memory_space<hbm>>
      %dma_wait3A_45 = tpu.memref_squeeze %dma_wait3A_44 : memref<1x1x80xi32, #tpu.memory_space<hbm>> -> memref<80xi32, #tpu.memory_space<hbm>>
      %dma_wait3A_46 = arith.constant 0 : i32
      %dma_wait3A_47 = tpu.memref_slice %arg3[%add3A, %run_scoped3A, %dma_wait3A_46] : memref<32x129x80xi32, #tpu.memory_space<hbm>> -> memref<1x1x80xi32, #tpu.memory_space<hbm>>
      %dma_wait3A_48 = tpu.memref_squeeze %dma_wait3A_47 : memref<1x1x80xi32, #tpu.memory_space<hbm>> -> memref<80xi32, #tpu.memory_space<hbm>>
      tpu.wait_dma2 semaphore(%run_scoped3A_36 : memref<!tpu.dma_semaphore, #tpu.memory_space<semaphore_mem>>) src(%dma_wait3A_48 : memref<80xi32, #tpu.memory_space<hbm>>) dst(%arg8 : memref<80xi32, #tpu.memory_space<vmem>>)
      tpu.yield
    }) : () -> ()
    %dma_start3A_20 = arith.constant 0 : i32
    %dma_start3A_21 = arith.constant 0 : i32
    %dma_start3A_22 = tpu.memref_slice %arg2[%dma_start3A_20, %dma_start3A_21] : memref<10000x128xf32, #tpu.memory_space<hbm>> -> memref<10000x128xf32, #tpu.memory_space<hbm>>
    tpu.enqueue_indirect_dma source(%dma_start3A_22 : memref<10000x128xf32, #tpu.memory_space<hbm>>) target(%arg11 : memref<80x128xf32, #tpu.memory_space<vmem>>) offsets(%arg8 : memref<80xi32, #tpu.memory_space<vmem>>) semaphore(%arg15 : memref<!tpu.dma_semaphore, #tpu.memory_space<semaphore_mem>>)
    %run_scoped3A_23 = arith.constant 1 : i32
    "tpu.region"() ({
      %run_scoped3A_36 = tpu.sem_alloc : memref<!tpu.dma_semaphore, #tpu.memory_space<semaphore_mem>>
      %dma_start3A_37 = arith.constant 0 : i32
      %dma_start3A_38 = tpu.memref_slice %arg3[%add3A, %run_scoped3A_23, %dma_start3A_37] : memref<32x129x80xi32, #tpu.memory_space<hbm>> -> memref<1x1x80xi32, #tpu.memory_space<hbm>>
      %dma_start3A_39 = tpu.memref_squeeze %dma_start3A_38 : memref<1x1x80xi32, #tpu.memory_space<hbm>> -> memref<80xi32, #tpu.memory_space<hbm>>
      %dma_start3A_40 = arith.constant 0 : i32
      %dma_start3A_41 = tpu.memref_slice %arg3[%add3A, %run_scoped3A_23, %dma_start3A_40] : memref<32x129x80xi32, #tpu.memory_space<hbm>> -> memref<1x1x80xi32, #tpu.memory_space<hbm>>
      %dma_start3A_42 = tpu.memref_squeeze %dma_start3A_41 : memref<1x1x80xi32, #tpu.memory_space<hbm>> -> memref<80xi32, #tpu.memory_space<hbm>>
      tpu.enqueue_dma source(%dma_start3A_42 : memref<80xi32, #tpu.memory_space<hbm>>) target(%arg9 : memref<80xi32, #tpu.memory_space<vmem>>) target_semaphore(%run_scoped3A_36 : memref<!tpu.dma_semaphore, #tpu.memory_space<semaphore_mem>>)
      %dma_wait3A_43 = arith.constant 0 : i32
      %dma_wait3A_44 = tpu.memref_slice %arg3[%add3A, %run_scoped3A_23, %dma_wait3A_43] : memref<32x129x80xi32, #tpu.memory_space<hbm>> -> memref<1x1x80xi32, #tpu.memory_space<hbm>>
      %dma_wait3A_45 = tpu.memref_squeeze %dma_wait3A_44 : memref<1x1x80xi32, #tpu.memory_space<hbm>> -> memref<80xi32, #tpu.memory_space<hbm>>
      %dma_wait3A_46 = arith.constant 0 : i32
      %dma_wait3A_47 = tpu.memref_slice %arg3[%add3A, %run_scoped3A_23, %dma_wait3A_46] : memref<32x129x80xi32, #tpu.memory_space<hbm>> -> memref<1x1x80xi32, #tpu.memory_space<hbm>>
      %dma_wait3A_48 = tpu.memref_squeeze %dma_wait3A_47 : memref<1x1x80xi32, #tpu.memory_space<hbm>> -> memref<80xi32, #tpu.memory_space<hbm>>
      tpu.wait_dma2 semaphore(%run_scoped3A_36 : memref<!tpu.dma_semaphore, #tpu.memory_space<semaphore_mem>>) src(%dma_wait3A_48 : memref<80xi32, #tpu.memory_space<hbm>>) dst(%arg9 : memref<80xi32, #tpu.memory_space<vmem>>)
      tpu.yield
    }) : () -> ()
    %dma_start3A_24 = arith.constant 0 : i32
    %dma_start3A_25 = arith.constant 0 : i32
    %dma_start3A_26 = tpu.memref_slice %arg2[%dma_start3A_24, %dma_start3A_25] : memref<10000x128xf32, #tpu.memory_space<hbm>> -> memref<10000x128xf32, #tpu.memory_space<hbm>>
    tpu.enqueue_indirect_dma source(%dma_start3A_26 : memref<10000x128xf32, #tpu.memory_space<hbm>>) target(%arg12 : memref<80x128xf32, #tpu.memory_space<vmem>>) offsets(%arg9 : memref<80xi32, #tpu.memory_space<vmem>>) semaphore(%arg16 : memref<!tpu.dma_semaphore, #tpu.memory_space<semaphore_mem>>)
    %run_scoped3A_27 = arith.constant 2 : i32
    "tpu.region"() ({
      %run_scoped3A_36 = tpu.sem_alloc : memref<!tpu.dma_semaphore, #tpu.memory_space<semaphore_mem>>
      %dma_start3A_37 = arith.constant 0 : i32
      %dma_start3A_38 = tpu.memref_slice %arg3[%add3A, %run_scoped3A_27, %dma_start3A_37] : memref<32x129x80xi32, #tpu.memory_space<hbm>> -> memref<1x1x80xi32, #tpu.memory_space<hbm>>
      %dma_start3A_39 = tpu.memref_squeeze %dma_start3A_38 : memref<1x1x80xi32, #tpu.memory_space<hbm>> -> memref<80xi32, #tpu.memory_space<hbm>>
      %dma_start3A_40 = arith.constant 0 : i32
      %dma_start3A_41 = tpu.memref_slice %arg3[%add3A, %run_scoped3A_27, %dma_start3A_40] : memref<32x129x80xi32, #tpu.memory_space<hbm>> -> memref<1x1x80xi32, #tpu.memory_space<hbm>>
      %dma_start3A_42 = tpu.memref_squeeze %dma_start3A_41 : memref<1x1x80xi32, #tpu.memory_space<hbm>> -> memref<80xi32, #tpu.memory_space<hbm>>
      tpu.enqueue_dma source(%dma_start3A_42 : memref<80xi32, #tpu.memory_space<hbm>>) target(%arg10 : memref<80xi32, #tpu.memory_space<vmem>>) target_semaphore(%run_scoped3A_36 : memref<!tpu.dma_semaphore, #tpu.memory_space<semaphore_mem>>)
      %dma_wait3A_43 = arith.constant 0 : i32
      %dma_wait3A_44 = tpu.memref_slice %arg3[%add3A, %run_scoped3A_27, %dma_wait3A_43] : memref<32x129x80xi32, #tpu.memory_space<hbm>> -> memref<1x1x80xi32, #tpu.memory_space<hbm>>
      %dma_wait3A_45 = tpu.memref_squeeze %dma_wait3A_44 : memref<1x1x80xi32, #tpu.memory_space<hbm>> -> memref<80xi32, #tpu.memory_space<hbm>>
      %dma_wait3A_46 = arith.constant 0 : i32
      %dma_wait3A_47 = tpu.memref_slice %arg3[%add3A, %run_scoped3A_27, %dma_wait3A_46] : memref<32x129x80xi32, #tpu.memory_space<hbm>> -> memref<1x1x80xi32, #tpu.memory_space<hbm>>
      %dma_wait3A_48 = tpu.memref_squeeze %dma_wait3A_47 : memref<1x1x80xi32, #tpu.memory_space<hbm>> -> memref<80xi32, #tpu.memory_space<hbm>>
      tpu.wait_dma2 semaphore(%run_scoped3A_36 : memref<!tpu.dma_semaphore, #tpu.memory_space<semaphore_mem>>) src(%dma_wait3A_48 : memref<80xi32, #tpu.memory_space<hbm>>) dst(%arg10 : memref<80xi32, #tpu.memory_space<vmem>>)
      tpu.yield
    }) : () -> ()
    %dma_start3A_28 = arith.constant 0 : i32
    %dma_start3A_29 = arith.constant 0 : i32
    %dma_start3A_30 = tpu.memref_slice %arg2[%dma_start3A_28, %dma_start3A_29] : memref<10000x128xf32, #tpu.memory_space<hbm>> -> memref<10000x128xf32, #tpu.memory_space<hbm>>
    tpu.enqueue_indirect_dma source(%dma_start3A_30 : memref<10000x128xf32, #tpu.memory_space<hbm>>) target(%arg13 : memref<80x128xf32, #tpu.memory_space<vmem>>) offsets(%arg10 : memref<80xi32, #tpu.memory_space<vmem>>) semaphore(%arg17 : memref<!tpu.dma_semaphore, #tpu.memory_space<semaphore_mem>>)
    %scan3A = arith.constant 0 : i32
    %scan3A_31 = arith.constant 43 : i32
    %scan3A_32 = arith.addi %scan3A, %scan3A_31 : i32
    %scan3A_33 = arith.constant 1 : i32
    scf.for %scan3A_36 = %scan3A to %scan3A_32 step %scan3A_33  : i32 {
      %mul3A_37 = arith.constant 1 : i32
      %mul3A_38 = arith.muli %scan3A_36, %mul3A_37 : i32
      %add3A_39 = arith.constant 0 : i32
      %add3A_40 = arith.addi %add3A_39, %mul3A_38 : i32
      %mul3A_41 = arith.constant 3 : i32
      %mul3A_42 = arith.muli %mul3A_41, %add3A_40 : i32
      %add3A_43 = arith.constant 0 : i32
      %add3A_44 = arith.addi %mul3A_42, %add3A_43 : i32
      %dma_wait3A_45 = arith.constant 0 : i32
      %dma_wait3A_46 = arith.constant 0 : i32
      %dma_wait3A_47 = tpu.memref_slice %arg2[%dma_wait3A_45, %dma_wait3A_46] : memref<10000x128xf32, #tpu.memory_space<hbm>> -> memref<10000x128xf32, #tpu.memory_space<hbm>>
      tpu.wait_indirect_dma semaphore(%arg15 : memref<!tpu.dma_semaphore, #tpu.memory_space<semaphore_mem>>) src(%dma_wait3A_47 : memref<10000x128xf32, #tpu.memory_space<hbm>>) dst(%arg11 : memref<80x128xf32, #tpu.memory_space<vmem>>)
      %add3A_48 = arith.constant 3 : i32
      %add3A_49 = arith.addi %add3A_44, %add3A_48 : i32
      %lt3A = arith.constant 129 : i32
      %lt3A_50 = arith.cmpi slt, %add3A_49, %lt3A : i32
      %convert_element_type3A = arith.extui %lt3A_50 : i1 to i32
      %cond3A = arith.constant 0 : i32
      %cond3A_51 = arith.cmpi ne, %convert_element_type3A, %cond3A : i32
      scf.if %cond3A_51 {
        %add3A_97 = arith.constant 3 : i32
        %add3A_98 = arith.addi %add3A_44, %add3A_97 : i32
        %dma_start3A_99 = arith.constant 0 : i32
        %dma_start3A_100 = tpu.memref_slice %arg3[%add3A, %add3A_98, %dma_start3A_99] : memref<32x129x80xi32, #tpu.memory_space<hbm>> -> memref<1x1x80xi32, #tpu.memory_space<hbm>>
        %dma_start3A_101 = tpu.memref_squeeze %dma_start3A_100 : memref<1x1x80xi32, #tpu.memory_space<hbm>> -> memref<80xi32, #tpu.memory_space<hbm>>
        %dma_start3A_102 = arith.constant 0 : i32
        %dma_start3A_103 = tpu.memref_slice %arg3[%add3A, %add3A_98, %dma_start3A_102] : memref<32x129x80xi32, #tpu.memory_space<hbm>> -> memref<1x1x80xi32, #tpu.memory_space<hbm>>
        %dma_start3A_104 = tpu.memref_squeeze %dma_start3A_103 : memref<1x1x80xi32, #tpu.memory_space<hbm>> -> memref<80xi32, #tpu.memory_space<hbm>>
        tpu.enqueue_dma source(%dma_start3A_104 : memref<80xi32, #tpu.memory_space<hbm>>) target(%arg8 : memref<80xi32, #tpu.memory_space<vmem>>) target_semaphore(%arg18 : memref<!tpu.dma_semaphore, #tpu.memory_space<semaphore_mem>>)
      } else {
      }
      "tpu.region"() ({
        %run_scoped3A_97 = tpu.sem_alloc : memref<!tpu.dma_semaphore, #tpu.memory_space<semaphore_mem>>
        %dma_start3A_98 = arith.constant 0 : i32
        %dma_start3A_99 = tpu.memref_slice %arg7[%add3A_44, %dma_start3A_98] : memref<129x80xi32, #tpu.memory_space<vmem>> -> memref<1x80xi32, #tpu.memory_space<vmem>>
        %dma_start3A_100 = tpu.memref_squeeze %dma_start3A_99 : memref<1x80xi32, #tpu.memory_space<vmem>> -> memref<80xi32, #tpu.memory_space<vmem>>
        %dma_start3A_101 = arith.constant 0 : i32
        %dma_start3A_102 = arith.constant 0 : i32
        %dma_start3A_103 = tpu.memref_slice %arg14[%dma_start3A_101, %dma_start3A_102] : memref<10112x128xf32, #tpu.memory_space<vmem_shared>> -> memref<10112x128xf32, #tpu.memory_space<vmem_shared>>
        tpu.enqueue_indirect_dma source(%arg11 : memref<80x128xf32, #tpu.memory_space<vmem>>) target(%dma_start3A_103 : memref<10112x128xf32, #tpu.memory_space<vmem_shared>>) offsets(%dma_start3A_100 : memref<80xi32, #tpu.memory_space<vmem>>) semaphore(%run_scoped3A_97 : memref<!tpu.dma_semaphore, #tpu.memory_space<semaphore_mem>>) {add = true}
        %dma_wait3A_104 = arith.constant 0 : i32
        %dma_wait3A_105 = tpu.memref_slice %arg7[%add3A_44, %dma_wait3A_104] : memref<129x80xi32, #tpu.memory_space<vmem>> -> memref<1x80xi32, #tpu.memory_space<vmem>>
        %dma_wait3A_106 = tpu.memref_squeeze %dma_wait3A_105 : memref<1x80xi32, #tpu.memory_space<vmem>> -> memref<80xi32, #tpu.memory_space<vmem>>
        %dma_wait3A_107 = arith.constant 0 : i32
        %dma_wait3A_108 = arith.constant 0 : i32
        %dma_wait3A_109 = tpu.memref_slice %arg14[%dma_wait3A_107, %dma_wait3A_108] : memref<10112x128xf32, #tpu.memory_space<vmem_shared>> -> memref<10112x128xf32, #tpu.memory_space<vmem_shared>>
        tpu.wait_indirect_dma semaphore(%run_scoped3A_97 : memref<!tpu.dma_semaphore, #tpu.memory_space<semaphore_mem>>) src(%arg11 : memref<80x128xf32, #tpu.memory_space<vmem>>) dst(%dma_wait3A_109 : memref<10112x128xf32, #tpu.memory_space<vmem_shared>>)
        tpu.yield
      }) : () -> ()
      %add3A_52 = arith.constant 3 : i32
      %add3A_53 = arith.addi %add3A_44, %add3A_52 : i32
      %lt3A_54 = arith.constant 129 : i32
      %lt3A_55 = arith.cmpi slt, %add3A_53, %lt3A_54 : i32
      %convert_element_type3A_56 = arith.extui %lt3A_55 : i1 to i32
      %cond3A_57 = arith.constant 0 : i32
      %cond3A_58 = arith.cmpi ne, %convert_element_type3A_56, %cond3A_57 : i32
      scf.if %cond3A_58 {
        %add3A_97 = arith.constant 3 : i32
        %add3A_98 = arith.addi %add3A_44, %add3A_97 : i32
        %dma_wait3A_99 = arith.constant 0 : i32
        %dma_wait3A_100 = tpu.memref_slice %arg3[%add3A, %add3A_98, %dma_wait3A_99] : memref<32x129x80xi32, #tpu.memory_space<hbm>> -> memref<1x1x80xi32, #tpu.memory_space<hbm>>
        %dma_wait3A_101 = tpu.memref_squeeze %dma_wait3A_100 : memref<1x1x80xi32, #tpu.memory_space<hbm>> -> memref<80xi32, #tpu.memory_space<hbm>>
        %dma_wait3A_102 = arith.constant 0 : i32
        %dma_wait3A_103 = tpu.memref_slice %arg3[%add3A, %add3A_98, %dma_wait3A_102] : memref<32x129x80xi32, #tpu.memory_space<hbm>> -> memref<1x1x80xi32, #tpu.memory_space<hbm>>
        %dma_wait3A_104 = tpu.memref_squeeze %dma_wait3A_103 : memref<1x1x80xi32, #tpu.memory_space<hbm>> -> memref<80xi32, #tpu.memory_space<hbm>>
        tpu.wait_dma2 semaphore(%arg18 : memref<!tpu.dma_semaphore, #tpu.memory_space<semaphore_mem>>) src(%dma_wait3A_104 : memref<80xi32, #tpu.memory_space<hbm>>) dst(%arg8 : memref<80xi32, #tpu.memory_space<vmem>>)
        %dma_start3A_105 = arith.constant 0 : i32
        %dma_start3A_106 = arith.constant 0 : i32
        %dma_start3A_107 = tpu.memref_slice %arg2[%dma_start3A_105, %dma_start3A_106] : memref<10000x128xf32, #tpu.memory_space<hbm>> -> memref<10000x128xf32, #tpu.memory_space<hbm>>
        tpu.enqueue_indirect_dma source(%dma_start3A_107 : memref<10000x128xf32, #tpu.memory_space<hbm>>) target(%arg11 : memref<80x128xf32, #tpu.memory_space<vmem>>) offsets(%arg8 : memref<80xi32, #tpu.memory_space<vmem>>) semaphore(%arg15 : memref<!tpu.dma_semaphore, #tpu.memory_space<semaphore_mem>>)
      } else {
      }
      %add3A_59 = arith.constant 1 : i32
      %add3A_60 = arith.addi %mul3A_42, %add3A_59 : i32
      %dma_wait3A_61 = arith.constant 0 : i32
      %dma_wait3A_62 = arith.constant 0 : i32
      %dma_wait3A_63 = tpu.memref_slice %arg2[%dma_wait3A_61, %dma_wait3A_62] : memref<10000x128xf32, #tpu.memory_space<hbm>> -> memref<10000x128xf32, #tpu.memory_space<hbm>>
      tpu.wait_indirect_dma semaphore(%arg16 : memref<!tpu.dma_semaphore, #tpu.memory_space<semaphore_mem>>) src(%dma_wait3A_63 : memref<10000x128xf32, #tpu.memory_space<hbm>>) dst(%arg12 : memref<80x128xf32, #tpu.memory_space<vmem>>)
      %add3A_64 = arith.constant 3 : i32
      %add3A_65 = arith.addi %add3A_60, %add3A_64 : i32
      %lt3A_66 = arith.constant 129 : i32
      %lt3A_67 = arith.cmpi slt, %add3A_65, %lt3A_66 : i32
      %convert_element_type3A_68 = arith.extui %lt3A_67 : i1 to i32
      %cond3A_69 = arith.constant 0 : i32
      %cond3A_70 = arith.cmpi ne, %convert_element_type3A_68, %cond3A_69 : i32
      scf.if %cond3A_70 {
        %add3A_97 = arith.constant 3 : i32
        %add3A_98 = arith.addi %add3A_60, %add3A_97 : i32
        %dma_start3A_99 = arith.constant 0 : i32
        %dma_start3A_100 = tpu.memref_slice %arg3[%add3A, %add3A_98, %dma_start3A_99] : memref<32x129x80xi32, #tpu.memory_space<hbm>> -> memref<1x1x80xi32, #tpu.memory_space<hbm>>
        %dma_start3A_101 = tpu.memref_squeeze %dma_start3A_100 : memref<1x1x80xi32, #tpu.memory_space<hbm>> -> memref<80xi32, #tpu.memory_space<hbm>>
        %dma_start3A_102 = arith.constant 0 : i32
        %dma_start3A_103 = tpu.memref_slice %arg3[%add3A, %add3A_98, %dma_start3A_102] : memref<32x129x80xi32, #tpu.memory_space<hbm>> -> memref<1x1x80xi32, #tpu.memory_space<hbm>>
        %dma_start3A_104 = tpu.memref_squeeze %dma_start3A_103 : memref<1x1x80xi32, #tpu.memory_space<hbm>> -> memref<80xi32, #tpu.memory_space<hbm>>
        tpu.enqueue_dma source(%dma_start3A_104 : memref<80xi32, #tpu.memory_space<hbm>>) target(%arg9 : memref<80xi32, #tpu.memory_space<vmem>>) target_semaphore(%arg19 : memref<!tpu.dma_semaphore, #tpu.memory_space<semaphore_mem>>)
      } else {
      }
      "tpu.region"() ({
        %run_scoped3A_97 = tpu.sem_alloc : memref<!tpu.dma_semaphore, #tpu.memory_space<semaphore_mem>>
        %dma_start3A_98 = arith.constant 0 : i32
        %dma_start3A_99 = tpu.memref_slice %arg7[%add3A_60, %dma_start3A_98] : memref<129x80xi32, #tpu.memory_space<vmem>> -> memref<1x80xi32, #tpu.memory_space<vmem>>
        %dma_start3A_100 = tpu.memref_squeeze %dma_start3A_99 : memref<1x80xi32, #tpu.memory_space<vmem>> -> memref<80xi32, #tpu.memory_space<vmem>>
        %dma_start3A_101 = arith.constant 0 : i32
        %dma_start3A_102 = arith.constant 0 : i32
        %dma_start3A_103 = tpu.memref_slice %arg14[%dma_start3A_101, %dma_start3A_102] : memref<10112x128xf32, #tpu.memory_space<vmem_shared>> -> memref<10112x128xf32, #tpu.memory_space<vmem_shared>>
        tpu.enqueue_indirect_dma source(%arg12 : memref<80x128xf32, #tpu.memory_space<vmem>>) target(%dma_start3A_103 : memref<10112x128xf32, #tpu.memory_space<vmem_shared>>) offsets(%dma_start3A_100 : memref<80xi32, #tpu.memory_space<vmem>>) semaphore(%run_scoped3A_97 : memref<!tpu.dma_semaphore, #tpu.memory_space<semaphore_mem>>) {add = true}
        %dma_wait3A_104 = arith.constant 0 : i32
        %dma_wait3A_105 = tpu.memref_slice %arg7[%add3A_60, %dma_wait3A_104] : memref<129x80xi32, #tpu.memory_space<vmem>> -> memref<1x80xi32, #tpu.memory_space<vmem>>
        %dma_wait3A_106 = tpu.memref_squeeze %dma_wait3A_105 : memref<1x80xi32, #tpu.memory_space<vmem>> -> memref<80xi32, #tpu.memory_space<vmem>>
        %dma_wait3A_107 = arith.constant 0 : i32
        %dma_wait3A_108 = arith.constant 0 : i32
        %dma_wait3A_109 = tpu.memref_slice %arg14[%dma_wait3A_107, %dma_wait3A_108] : memref<10112x128xf32, #tpu.memory_space<vmem_shared>> -> memref<10112x128xf32, #tpu.memory_space<vmem_shared>>
        tpu.wait_indirect_dma semaphore(%run_scoped3A_97 : memref<!tpu.dma_semaphore, #tpu.memory_space<semaphore_mem>>) src(%arg12 : memref<80x128xf32, #tpu.memory_space<vmem>>) dst(%dma_wait3A_109 : memref<10112x128xf32, #tpu.memory_space<vmem_shared>>)
        tpu.yield
      }) : () -> ()
      %add3A_71 = arith.constant 3 : i32
      %add3A_72 = arith.addi %add3A_60, %add3A_71 : i32
      %lt3A_73 = arith.constant 129 : i32
      %lt3A_74 = arith.cmpi slt, %add3A_72, %lt3A_73 : i32
      %convert_element_type3A_75 = arith.extui %lt3A_74 : i1 to i32
      %cond3A_76 = arith.constant 0 : i32
      %cond3A_77 = arith.cmpi ne, %convert_element_type3A_75, %cond3A_76 : i32
      scf.if %cond3A_77 {
        %add3A_97 = arith.constant 3 : i32
        %add3A_98 = arith.addi %add3A_60, %add3A_97 : i32
        %dma_wait3A_99 = arith.constant 0 : i32
        %dma_wait3A_100 = tpu.memref_slice %arg3[%add3A, %add3A_98, %dma_wait3A_99] : memref<32x129x80xi32, #tpu.memory_space<hbm>> -> memref<1x1x80xi32, #tpu.memory_space<hbm>>
        %dma_wait3A_101 = tpu.memref_squeeze %dma_wait3A_100 : memref<1x1x80xi32, #tpu.memory_space<hbm>> -> memref<80xi32, #tpu.memory_space<hbm>>
        %dma_wait3A_102 = arith.constant 0 : i32
        %dma_wait3A_103 = tpu.memref_slice %arg3[%add3A, %add3A_98, %dma_wait3A_102] : memref<32x129x80xi32, #tpu.memory_space<hbm>> -> memref<1x1x80xi32, #tpu.memory_space<hbm>>
        %dma_wait3A_104 = tpu.memref_squeeze %dma_wait3A_103 : memref<1x1x80xi32, #tpu.memory_space<hbm>> -> memref<80xi32, #tpu.memory_space<hbm>>
        tpu.wait_dma2 semaphore(%arg19 : memref<!tpu.dma_semaphore, #tpu.memory_space<semaphore_mem>>) src(%dma_wait3A_104 : memref<80xi32, #tpu.memory_space<hbm>>) dst(%arg9 : memref<80xi32, #tpu.memory_space<vmem>>)
        %dma_start3A_105 = arith.constant 0 : i32
        %dma_start3A_106 = arith.constant 0 : i32
        %dma_start3A_107 = tpu.memref_slice %arg2[%dma_start3A_105, %dma_start3A_106] : memref<10000x128xf32, #tpu.memory_space<hbm>> -> memref<10000x128xf32, #tpu.memory_space<hbm>>
        tpu.enqueue_indirect_dma source(%dma_start3A_107 : memref<10000x128xf32, #tpu.memory_space<hbm>>) target(%arg12 : memref<80x128xf32, #tpu.memory_space<vmem>>) offsets(%arg9 : memref<80xi32, #tpu.memory_space<vmem>>) semaphore(%arg16 : memref<!tpu.dma_semaphore, #tpu.memory_space<semaphore_mem>>)
      } else {
      }
      %add3A_78 = arith.constant 2 : i32
      %add3A_79 = arith.addi %mul3A_42, %add3A_78 : i32
      %dma_wait3A_80 = arith.constant 0 : i32
      %dma_wait3A_81 = arith.constant 0 : i32
      %dma_wait3A_82 = tpu.memref_slice %arg2[%dma_wait3A_80, %dma_wait3A_81] : memref<10000x128xf32, #tpu.memory_space<hbm>> -> memref<10000x128xf32, #tpu.memory_space<hbm>>
      tpu.wait_indirect_dma semaphore(%arg17 : memref<!tpu.dma_semaphore, #tpu.memory_space<semaphore_mem>>) src(%dma_wait3A_82 : memref<10000x128xf32, #tpu.memory_space<hbm>>) dst(%arg13 : memref<80x128xf32, #tpu.memory_space<vmem>>)
      %add3A_83 = arith.constant 3 : i32
      %add3A_84 = arith.addi %add3A_79, %add3A_83 : i32
      %lt3A_85 = arith.constant 129 : i32
      %lt3A_86 = arith.cmpi slt, %add3A_84, %lt3A_85 : i32
      %convert_element_type3A_87 = arith.extui %lt3A_86 : i1 to i32
      %cond3A_88 = arith.constant 0 : i32
      %cond3A_89 = arith.cmpi ne, %convert_element_type3A_87, %cond3A_88 : i32
      scf.if %cond3A_89 {
        %add3A_97 = arith.constant 3 : i32
        %add3A_98 = arith.addi %add3A_79, %add3A_97 : i32
        %dma_start3A_99 = arith.constant 0 : i32
        %dma_start3A_100 = tpu.memref_slice %arg3[%add3A, %add3A_98, %dma_start3A_99] : memref<32x129x80xi32, #tpu.memory_space<hbm>> -> memref<1x1x80xi32, #tpu.memory_space<hbm>>
        %dma_start3A_101 = tpu.memref_squeeze %dma_start3A_100 : memref<1x1x80xi32, #tpu.memory_space<hbm>> -> memref<80xi32, #tpu.memory_space<hbm>>
        %dma_start3A_102 = arith.constant 0 : i32
        %dma_start3A_103 = tpu.memref_slice %arg3[%add3A, %add3A_98, %dma_start3A_102] : memref<32x129x80xi32, #tpu.memory_space<hbm>> -> memref<1x1x80xi32, #tpu.memory_space<hbm>>
        %dma_start3A_104 = tpu.memref_squeeze %dma_start3A_103 : memref<1x1x80xi32, #tpu.memory_space<hbm>> -> memref<80xi32, #tpu.memory_space<hbm>>
        tpu.enqueue_dma source(%dma_start3A_104 : memref<80xi32, #tpu.memory_space<hbm>>) target(%arg10 : memref<80xi32, #tpu.memory_space<vmem>>) target_semaphore(%arg20 : memref<!tpu.dma_semaphore, #tpu.memory_space<semaphore_mem>>)
      } else {
      }
      "tpu.region"() ({
        %run_scoped3A_97 = tpu.sem_alloc : memref<!tpu.dma_semaphore, #tpu.memory_space<semaphore_mem>>
        %dma_start3A_98 = arith.constant 0 : i32
        %dma_start3A_99 = tpu.memref_slice %arg7[%add3A_79, %dma_start3A_98] : memref<129x80xi32, #tpu.memory_space<vmem>> -> memref<1x80xi32, #tpu.memory_space<vmem>>
        %dma_start3A_100 = tpu.memref_squeeze %dma_start3A_99 : memref<1x80xi32, #tpu.memory_space<vmem>> -> memref<80xi32, #tpu.memory_space<vmem>>
        %dma_start3A_101 = arith.constant 0 : i32
        %dma_start3A_102 = arith.constant 0 : i32
        %dma_start3A_103 = tpu.memref_slice %arg14[%dma_start3A_101, %dma_start3A_102] : memref<10112x128xf32, #tpu.memory_space<vmem_shared>> -> memref<10112x128xf32, #tpu.memory_space<vmem_shared>>
        tpu.enqueue_indirect_dma source(%arg13 : memref<80x128xf32, #tpu.memory_space<vmem>>) target(%dma_start3A_103 : memref<10112x128xf32, #tpu.memory_space<vmem_shared>>) offsets(%dma_start3A_100 : memref<80xi32, #tpu.memory_space<vmem>>) semaphore(%run_scoped3A_97 : memref<!tpu.dma_semaphore, #tpu.memory_space<semaphore_mem>>) {add = true}
        %dma_wait3A_104 = arith.constant 0 : i32
        %dma_wait3A_105 = tpu.memref_slice %arg7[%add3A_79, %dma_wait3A_104] : memref<129x80xi32, #tpu.memory_space<vmem>> -> memref<1x80xi32, #tpu.memory_space<vmem>>
        %dma_wait3A_106 = tpu.memref_squeeze %dma_wait3A_105 : memref<1x80xi32, #tpu.memory_space<vmem>> -> memref<80xi32, #tpu.memory_space<vmem>>
        %dma_wait3A_107 = arith.constant 0 : i32
        %dma_wait3A_108 = arith.constant 0 : i32
        %dma_wait3A_109 = tpu.memref_slice %arg14[%dma_wait3A_107, %dma_wait3A_108] : memref<10112x128xf32, #tpu.memory_space<vmem_shared>> -> memref<10112x128xf32, #tpu.memory_space<vmem_shared>>
        tpu.wait_indirect_dma semaphore(%run_scoped3A_97 : memref<!tpu.dma_semaphore, #tpu.memory_space<semaphore_mem>>) src(%arg13 : memref<80x128xf32, #tpu.memory_space<vmem>>) dst(%dma_wait3A_109 : memref<10112x128xf32, #tpu.memory_space<vmem_shared>>)
        tpu.yield
      }) : () -> ()
      %add3A_90 = arith.constant 3 : i32
      %add3A_91 = arith.addi %add3A_79, %add3A_90 : i32
      %lt3A_92 = arith.constant 129 : i32
      %lt3A_93 = arith.cmpi slt, %add3A_91, %lt3A_92 : i32
      %convert_element_type3A_94 = arith.extui %lt3A_93 : i1 to i32
      %cond3A_95 = arith.constant 0 : i32
      %cond3A_96 = arith.cmpi ne, %convert_element_type3A_94, %cond3A_95 : i32
      scf.if %cond3A_96 {
        %add3A_97 = arith.constant 3 : i32
        %add3A_98 = arith.addi %add3A_79, %add3A_97 : i32
        %dma_wait3A_99 = arith.constant 0 : i32
        %dma_wait3A_100 = tpu.memref_slice %arg3[%add3A, %add3A_98, %dma_wait3A_99] : memref<32x129x80xi32, #tpu.memory_space<hbm>> -> memref<1x1x80xi32, #tpu.memory_space<hbm>>
        %dma_wait3A_101 = tpu.memref_squeeze %dma_wait3A_100 : memref<1x1x80xi32, #tpu.memory_space<hbm>> -> memref<80xi32, #tpu.memory_space<hbm>>
        %dma_wait3A_102 = arith.constant 0 : i32
        %dma_wait3A_103 = tpu.memref_slice %arg3[%add3A, %add3A_98, %dma_wait3A_102] : memref<32x129x80xi32, #tpu.memory_space<hbm>> -> memref<1x1x80xi32, #tpu.memory_space<hbm>>
        %dma_wait3A_104 = tpu.memref_squeeze %dma_wait3A_103 : memref<1x1x80xi32, #tpu.memory_space<hbm>> -> memref<80xi32, #tpu.memory_space<hbm>>
        tpu.wait_dma2 semaphore(%arg20 : memref<!tpu.dma_semaphore, #tpu.memory_space<semaphore_mem>>) src(%dma_wait3A_104 : memref<80xi32, #tpu.memory_space<hbm>>) dst(%arg10 : memref<80xi32, #tpu.memory_space<vmem>>)
        %dma_start3A_105 = arith.constant 0 : i32
        %dma_start3A_106 = arith.constant 0 : i32
        %dma_start3A_107 = tpu.memref_slice %arg2[%dma_start3A_105, %dma_start3A_106] : memref<10000x128xf32, #tpu.memory_space<hbm>> -> memref<10000x128xf32, #tpu.memory_space<hbm>>
        tpu.enqueue_indirect_dma source(%dma_start3A_107 : memref<10000x128xf32, #tpu.memory_space<hbm>>) target(%arg13 : memref<80x128xf32, #tpu.memory_space<vmem>>) offsets(%arg10 : memref<80xi32, #tpu.memory_space<vmem>>) semaphore(%arg17 : memref<!tpu.dma_semaphore, #tpu.memory_space<semaphore_mem>>)
      } else {
      }
    }
    %scan3A_34 = arith.constant 43 : i32
    %barrier3A_35 = arith.constant 0 : index
    tpu.barrier barrier_id(%barrier3A_35)
    "tpu.region"() ({
      %run_scoped3A_36 = tpu.sem_alloc : memref<!tpu.dma_semaphore, #tpu.memory_space<semaphore_mem>>
      %dma_start3A_37 = arith.constant 0 : i32
      %dma_start3A_38 = tpu.memref_slice %arg6[%arg0, %mul3A_2, %dma_start3A_37] : memref<2x10112x128xf32, #tpu.memory_space<hbm>> -> memref<1x632x128xf32, #tpu.memory_space<hbm>>
      %dma_start3A_39 = tpu.memref_squeeze %dma_start3A_38 : memref<1x632x128xf32, #tpu.memory_space<hbm>> -> memref<632x128xf32, #tpu.memory_space<hbm>>
      %dma_start3A_40 = arith.constant 0 : i32
      %dma_start3A_41 = tpu.memref_slice %arg14[%mul3A_2, %dma_start3A_40] : memref<10112x128xf32, #tpu.memory_space<vmem_shared>> -> memref<632x128xf32, #tpu.memory_space<vmem_shared>>
      tpu.enqueue_dma source(%dma_start3A_41 : memref<632x128xf32, #tpu.memory_space<vmem_shared>>) target(%dma_start3A_39 : memref<632x128xf32, #tpu.memory_space<hbm>>) target_semaphore(%run_scoped3A_36 : memref<!tpu.dma_semaphore, #tpu.memory_space<semaphore_mem>>)
      %dma_wait3A_42 = arith.constant 0 : i32
      %dma_wait3A_43 = tpu.memref_slice %arg6[%arg0, %mul3A_2, %dma_wait3A_42] : memref<2x10112x128xf32, #tpu.memory_space<hbm>> -> memref<1x632x128xf32, #tpu.memory_space<hbm>>
      %dma_wait3A_44 = tpu.memref_squeeze %dma_wait3A_43 : memref<1x632x128xf32, #tpu.memory_space<hbm>> -> memref<632x128xf32, #tpu.memory_space<hbm>>
      %dma_wait3A_45 = arith.constant 0 : i32
      %dma_wait3A_46 = tpu.memref_slice %arg14[%mul3A_2, %dma_wait3A_45] : memref<10112x128xf32, #tpu.memory_space<vmem_shared>> -> memref<632x128xf32, #tpu.memory_space<vmem_shared>>
      tpu.wait_dma2 semaphore(%run_scoped3A_36 : memref<!tpu.dma_semaphore, #tpu.memory_space<semaphore_mem>>) src(%dma_wait3A_46 : memref<632x128xf32, #tpu.memory_space<vmem_shared>>) dst(%dma_wait3A_44 : memref<632x128xf32, #tpu.memory_space<hbm>>)
      tpu.yield
    }) : () -> ()
    return
  }
}

module attributes {stable_mosaic.version = 14 : i64} {
  func.func @body(%arg0: i32, %arg1: memref<2000x128xf32, #tpu.memory_space<vmem>>, %arg2: memref<2x2000x128xf32, #tpu.memory_space<vmem>>, %arg3: memref<2000x1xf32, #tpu.memory_space<vmem>>, %arg4: memref<128x128xf32, #tpu.memory_space<vmem>>, %arg5: memref<128x128xf32, #tpu.memory_space<vmem>>, %arg6: memref<1x128xf32, #tpu.memory_space<vmem>>, %arg7: memref<2000x128xf32, #tpu.memory_space<vmem>>) attributes {dimension_semantics = [#tpu.dimension_semantics<arbitrary>], iteration_bounds = array<i64: 5>, scalar_prefetch = 0 : i64, scratch_operands = 0 : i64, tpu.core_type = #tpu.core_type<tc>, window_params = [{transform_indices = @transform_0, window_bounds = array<i64: 2000, 128>}, {transform_indices = @transform_1, window_bounds = array<i64: 2, 2000, 128>}, {transform_indices = @transform_2, window_bounds = array<i64: 2000, 1>}, {pipeline_mode = #tpu.pipeline_mode<synchronous>, transform_indices = @transform_3, window_bounds = array<i64: 128, 128>}, {pipeline_mode = #tpu.pipeline_mode<synchronous>, transform_indices = @transform_4, window_bounds = array<i64: 128, 128>}, {pipeline_mode = #tpu.pipeline_mode<synchronous>, transform_indices = @transform_5, window_bounds = array<i64: 1, 128>}, {transform_indices = @transform_6, window_bounds = array<i64: 2000, 128>}]} {
    %get3A = arith.constant 0 : index
    %get3A_0 = arith.constant 0 : index
    %get3A_1 = arith.constant 0 : index
    %get3A_2 = vector.load %arg2[%get3A, %get3A_0, %get3A_1] : memref<2x2000x128xf32, #tpu.memory_space<vmem>>, vector<1x2000x128xf32>
    %get3A_3 = vector.shape_cast %get3A_2 : vector<1x2000x128xf32> to vector<2000x128xf32>
    %get3A_4 = arith.constant 1 : index
    %get3A_5 = arith.constant 0 : index
    %get3A_6 = arith.constant 0 : index
    %get3A_7 = vector.load %arg2[%get3A_4, %get3A_5, %get3A_6] : memref<2x2000x128xf32, #tpu.memory_space<vmem>>, vector<1x2000x128xf32>
    %get3A_8 = vector.shape_cast %get3A_7 : vector<1x2000x128xf32> to vector<2000x128xf32>
    %add3A = arith.addf %get3A_3, %get3A_8 : vector<2000x128xf32>
    %get3A_9 = arith.constant 0 : index
    %get3A_10 = arith.constant 0 : index
    %get3A_11 = vector.load %arg3[%get3A_9, %get3A_10] : memref<2000x1xf32, #tpu.memory_space<vmem>>, vector<2000x1xf32>
    %mul3A = vector.broadcast %get3A_11 : vector<2000x1xf32> to vector<2000x128xf32>
    %mul3A_12 = arith.mulf %add3A, %mul3A : vector<2000x128xf32>
    %get3A_13 = arith.constant 0 : index
    %get3A_14 = arith.constant 0 : index
    %get3A_15 = vector.load %arg1[%get3A_13, %get3A_14] : memref<2000x128xf32, #tpu.memory_space<vmem>>, vector<2000x128xf32>
    %get3A_16 = arith.constant 0 : index
    %get3A_17 = arith.constant 0 : index
    %get3A_18 = vector.load %arg4[%get3A_16, %get3A_17] : memref<128x128xf32, #tpu.memory_space<vmem>>, vector<128x128xf32>
    %dot_general3A = arith.constant dense<0.000000e+00> : vector<2000x128xf32>
    %dot_general3A_19 = tpu.matmul %get3A_15, %get3A_18, %dot_general3A {dimension_numbers = #tpu.dot_dimension_numbers<[1], [0], [0], [1], [0, 0, 1, 1], [], []>, transpose_lhs_hint = false} : vector<2000x128xf32>, vector<128x128xf32>, vector<2000x128xf32> -> vector<2000x128xf32>
    %get3A_20 = arith.constant 0 : index
    %get3A_21 = arith.constant 0 : index
    %get3A_22 = vector.load %arg5[%get3A_20, %get3A_21] : memref<128x128xf32, #tpu.memory_space<vmem>>, vector<128x128xf32>
    %dot_general3A_23 = arith.constant dense<0.000000e+00> : vector<2000x128xf32>
    %dot_general3A_24 = tpu.matmul %mul3A_12, %get3A_22, %dot_general3A_23 {dimension_numbers = #tpu.dot_dimension_numbers<[1], [0], [0], [1], [0, 0, 1, 1], [], []>, transpose_lhs_hint = false} : vector<2000x128xf32>, vector<128x128xf32>, vector<2000x128xf32> -> vector<2000x128xf32>
    %add3A_25 = arith.addf %dot_general3A_19, %dot_general3A_24 : vector<2000x128xf32>
    %get3A_26 = arith.constant 0 : index
    %get3A_27 = arith.constant 0 : index
    %get3A_28 = vector.load %arg6[%get3A_26, %get3A_27] : memref<1x128xf32, #tpu.memory_space<vmem>>, vector<1x128xf32>
    %add3A_29 = vector.broadcast %get3A_28 : vector<1x128xf32> to vector<2000x128xf32>
    %add3A_30 = arith.addf %add3A_25, %add3A_29 : vector<2000x128xf32>
    %max3A = arith.constant 0.000000e+00 : f32
    %max3A_31 = vector.broadcast %max3A : f32 to vector<2000x128xf32>
    %max3A_32 = arith.maximumf %add3A_30, %max3A_31 : vector<2000x128xf32>
    %swap3A = arith.constant 0 : index
    %swap3A_33 = arith.constant 0 : index
    %swap3A_34 = vector.load %arg7[%swap3A, %swap3A_33] : memref<2000x128xf32, #tpu.memory_space<vmem>>, vector<2000x128xf32>
    tpu.vector_store %arg7[%swap3A, %swap3A_33], %max3A_32 {strides = array<i32>} : memref<2000x128xf32, #tpu.memory_space<vmem>>, vector<2000x128xf32>,
    return
  }
  func.func @transform_0(%arg0: i32) -> (i32, i32) {
    %c0_i32 = arith.constant 0 : i32
    %c0_i32_0 = arith.constant 0 : i32
    return %arg0, %c0_i32 : i32, i32
  }
  func.func @transform_1(%arg0: i32) -> (i32, i32, i32) {
    %c0_i32 = arith.constant 0 : i32
    %c0_i32_0 = arith.constant 0 : i32
    %c0_i32_1 = arith.constant 0 : i32
    return %c0_i32, %arg0, %c0_i32_0 : i32, i32, i32
  }
  func.func @transform_2(%arg0: i32) -> (i32, i32) {
    %c0_i32 = arith.constant 0 : i32
    %c0_i32_0 = arith.constant 0 : i32
    return %arg0, %c0_i32 : i32, i32
  }
  func.func @transform_3(%arg0: i32) -> (i32, i32) {
    %c0_i32 = arith.constant 0 : i32
    %c0_i32_0 = arith.constant 0 : i32
    %c0_i32_1 = arith.constant 0 : i32
    return %c0_i32, %c0_i32_0 : i32, i32
  }
  func.func @transform_4(%arg0: i32) -> (i32, i32) {
    %c0_i32 = arith.constant 0 : i32
    %c0_i32_0 = arith.constant 0 : i32
    %c0_i32_1 = arith.constant 0 : i32
    return %c0_i32, %c0_i32_0 : i32, i32
  }
  func.func @transform_5(%arg0: i32) -> (i32, i32) {
    %c0_i32 = arith.constant 0 : i32
    %c0_i32_0 = arith.constant 0 : i32
    %c0_i32_1 = arith.constant 0 : i32
    return %c0_i32, %c0_i32_0 : i32, i32
  }
  func.func @transform_6(%arg0: i32) -> (i32, i32) {
    %c0_i32 = arith.constant 0 : i32
    %c0_i32_0 = arith.constant 0 : i32
    return %arg0, %c0_i32 : i32, i32
  }
}

module attributes {stable_mosaic.version = 14 : i64} {
  func.func @body(%arg0: i32, %arg1: memref<2000x128xf32, #tpu.memory_space<vmem>>, %arg2: memref<2x2000x128xf32, #tpu.memory_space<vmem>>, %arg3: memref<2000x1xf32, #tpu.memory_space<vmem>>, %arg4: memref<128x40xf32, #tpu.memory_space<vmem>>, %arg5: memref<128x40xf32, #tpu.memory_space<vmem>>, %arg6: memref<1x40xf32, #tpu.memory_space<vmem>>, %arg7: memref<2000x40xf32, #tpu.memory_space<vmem>>) attributes {dimension_semantics = [#tpu.dimension_semantics<arbitrary>], iteration_bounds = array<i64: 5>, scalar_prefetch = 0 : i64, scratch_operands = 0 : i64, tpu.core_type = #tpu.core_type<tc>, window_params = [{transform_indices = @transform_0, window_bounds = array<i64: 2000, 128>}, {transform_indices = @transform_1, window_bounds = array<i64: 2, 2000, 128>}, {transform_indices = @transform_2, window_bounds = array<i64: 2000, 1>}, {pipeline_mode = #tpu.pipeline_mode<synchronous>, transform_indices = @transform_3, window_bounds = array<i64: 128, 40>}, {pipeline_mode = #tpu.pipeline_mode<synchronous>, transform_indices = @transform_4, window_bounds = array<i64: 128, 40>}, {pipeline_mode = #tpu.pipeline_mode<synchronous>, transform_indices = @transform_5, window_bounds = array<i64: 1, 40>}, {transform_indices = @transform_6, window_bounds = array<i64: 2000, 40>}]} {
    %get3A = arith.constant 0 : index
    %get3A_0 = arith.constant 0 : index
    %get3A_1 = arith.constant 0 : index
    %get3A_2 = vector.load %arg2[%get3A, %get3A_0, %get3A_1] : memref<2x2000x128xf32, #tpu.memory_space<vmem>>, vector<1x2000x128xf32>
    %get3A_3 = vector.shape_cast %get3A_2 : vector<1x2000x128xf32> to vector<2000x128xf32>
    %get3A_4 = arith.constant 1 : index
    %get3A_5 = arith.constant 0 : index
    %get3A_6 = arith.constant 0 : index
    %get3A_7 = vector.load %arg2[%get3A_4, %get3A_5, %get3A_6] : memref<2x2000x128xf32, #tpu.memory_space<vmem>>, vector<1x2000x128xf32>
    %get3A_8 = vector.shape_cast %get3A_7 : vector<1x2000x128xf32> to vector<2000x128xf32>
    %add3A = arith.addf %get3A_3, %get3A_8 : vector<2000x128xf32>
    %get3A_9 = arith.constant 0 : index
    %get3A_10 = arith.constant 0 : index
    %get3A_11 = vector.load %arg3[%get3A_9, %get3A_10] : memref<2000x1xf32, #tpu.memory_space<vmem>>, vector<2000x1xf32>
    %mul3A = vector.broadcast %get3A_11 : vector<2000x1xf32> to vector<2000x128xf32>
    %mul3A_12 = arith.mulf %add3A, %mul3A : vector<2000x128xf32>
    %get3A_13 = arith.constant 0 : index
    %get3A_14 = arith.constant 0 : index
    %get3A_15 = vector.load %arg1[%get3A_13, %get3A_14] : memref<2000x128xf32, #tpu.memory_space<vmem>>, vector<2000x128xf32>
    %get3A_16 = arith.constant 0 : index
    %get3A_17 = arith.constant 0 : index
    %get3A_18 = vector.load %arg4[%get3A_16, %get3A_17] : memref<128x40xf32, #tpu.memory_space<vmem>>, vector<128x40xf32>
    %dot_general3A = arith.constant dense<0.000000e+00> : vector<2000x40xf32>
    %dot_general3A_19 = tpu.matmul %get3A_15, %get3A_18, %dot_general3A {dimension_numbers = #tpu.dot_dimension_numbers<[1], [0], [0], [1], [0, 0, 1, 1], [], []>, transpose_lhs_hint = false} : vector<2000x128xf32>, vector<128x40xf32>, vector<2000x40xf32> -> vector<2000x40xf32>
    %get3A_20 = arith.constant 0 : index
    %get3A_21 = arith.constant 0 : index
    %get3A_22 = vector.load %arg5[%get3A_20, %get3A_21] : memref<128x40xf32, #tpu.memory_space<vmem>>, vector<128x40xf32>
    %dot_general3A_23 = arith.constant dense<0.000000e+00> : vector<2000x40xf32>
    %dot_general3A_24 = tpu.matmul %mul3A_12, %get3A_22, %dot_general3A_23 {dimension_numbers = #tpu.dot_dimension_numbers<[1], [0], [0], [1], [0, 0, 1, 1], [], []>, transpose_lhs_hint = false} : vector<2000x128xf32>, vector<128x40xf32>, vector<2000x40xf32> -> vector<2000x40xf32>
    %add3A_25 = arith.addf %dot_general3A_19, %dot_general3A_24 : vector<2000x40xf32>
    %get3A_26 = arith.constant 0 : index
    %get3A_27 = arith.constant 0 : index
    %get3A_28 = vector.load %arg6[%get3A_26, %get3A_27] : memref<1x40xf32, #tpu.memory_space<vmem>>, vector<1x40xf32>
    %add3A_29 = vector.broadcast %get3A_28 : vector<1x40xf32> to vector<2000x40xf32>
    %add3A_30 = arith.addf %add3A_25, %add3A_29 : vector<2000x40xf32>
    %swap3A = arith.constant 0 : index
    %swap3A_31 = arith.constant 0 : index
    %swap3A_32 = vector.load %arg7[%swap3A, %swap3A_31] : memref<2000x40xf32, #tpu.memory_space<vmem>>, vector<2000x40xf32>
    tpu.vector_store %arg7[%swap3A, %swap3A_31], %add3A_30 {strides = array<i32>} : memref<2000x40xf32, #tpu.memory_space<vmem>>, vector<2000x40xf32>,
    return
  }
  func.func @transform_0(%arg0: i32) -> (i32, i32) {
    %c0_i32 = arith.constant 0 : i32
    %c0_i32_0 = arith.constant 0 : i32
    return %arg0, %c0_i32 : i32, i32
  }
  func.func @transform_1(%arg0: i32) -> (i32, i32, i32) {
    %c0_i32 = arith.constant 0 : i32
    %c0_i32_0 = arith.constant 0 : i32
    %c0_i32_1 = arith.constant 0 : i32
    return %c0_i32, %arg0, %c0_i32_0 : i32, i32, i32
  }
  func.func @transform_2(%arg0: i32) -> (i32, i32) {
    %c0_i32 = arith.constant 0 : i32
    %c0_i32_0 = arith.constant 0 : i32
    return %arg0, %c0_i32 : i32, i32
  }
  func.func @transform_3(%arg0: i32) -> (i32, i32) {
    %c0_i32 = arith.constant 0 : i32
    %c0_i32_0 = arith.constant 0 : i32
    %c0_i32_1 = arith.constant 0 : i32
    return %c0_i32, %c0_i32_0 : i32, i32
  }
  func.func @transform_4(%arg0: i32) -> (i32, i32) {
    %c0_i32 = arith.constant 0 : i32
    %c0_i32_0 = arith.constant 0 : i32
    %c0_i32_1 = arith.constant 0 : i32
    return %c0_i32, %c0_i32_0 : i32, i32
  }
  func.func @transform_5(%arg0: i32) -> (i32, i32) {
    %c0_i32 = arith.constant 0 : i32
    %c0_i32_0 = arith.constant 0 : i32
    %c0_i32_1 = arith.constant 0 : i32
    return %c0_i32, %c0_i32_0 : i32, i32
  }
  func.func @transform_6(%arg0: i32) -> (i32, i32) {
    %c0_i32 = arith.constant 0 : i32
    %c0_i32_0 = arith.constant 0 : i32
    return %arg0, %c0_i32 : i32, i32
  }
}

</mosaic_0001>

<sc_bundles>
// kernel: kernel.11.cloned.1.call-start
scs
__scs_entry_jumppad:
0x0: {  	(pc) =	sbr.rel $0x88, $3  }
0x1: {  	(tag) =	ssettag $0x0;
	lr =	simm.s32 $0x1  }
0x2: {  	[smem:$0x3F96] =	sst lr;
	_ =	strace $0xD0000000  }
0x3: {  	_ = 	snop  }
0x4: {  	_ = 	snop  }
0x5: {  	_ = 	snop  }
0x6: {  	_ = 	snop  }
0x7: {  	_ = 	snop  }
__scs_overlays_trampoline_lowered:
0x8: {  	[smem:$0x3FA5] =	sst s0  }
0x9: {  	[smem:$0x3FA6] =	sst s1  }
0xa: {  	[smem:$0x3FA7] =	sst s2  }
0xb: {  	[smem:$0x3FA8] =	sst s3  }
0xc: {  	[smem:$0x3FA9] =	sst s4  }
0xd: {  	[smem:$0x3FAA] =	sst s5  }
0xe: {  	[smem:$0x3FAB] =	sst s6  }
0xf: {  	[smem:$0x3FAC] =	sst s7  }
0x10: {  	[smem:$0x3FAD] =	sst s8  }
0x11: {  	[smem:$0x3FAE] =	sst s9;
	s0 =	simm.s32 @!p0 $0x0  }
0x12: {  	s1 =	sld [smem:$0x3F94];
	s0 =	simm.s32 @p0 $0x1  }
0x13: {  	[smem:$0x3FAF] =	sst s0;
	s0 =	simm.s32 @!p1 $0x0  }
0x14: {  	s2 =	sld [smem:$0x3F93];
	s0 =	simm.s32 @p1 $0x1  }
0x15: {  	[smem:$0x3FB0] =	sst s0;
	s0 =	simm.s32 @!p2 $0x0  }
0x16: {  	s3 =	sld [smem:$0x3FDB];
	s0 =	simm.s32 @p2 $0x1  }
0x17: {  	s4 =	simm.s32 $0x1BF5;
	[smem:$0x3FB2] =	sst s0  }
0x18: {  	s0 =	sld [smem:$0x3F95];
	_ =	swait.ge [sflag:s4], $0x0  }
0x19: {  	s7 =	sld [smem:$0x3F96]  }
0x1a: {  	s8 =	sadd.s32 $0xFFFFE003, lr  }
0x1b: {  	s9 =	sadd.s32 $0xFFFFFEF7, lr;
	s5 =	simm.s32 $0xFFFFFFFF;
	p2 =	slt.u32 s8, $0xFFFFF086  }
0x1c: {  	p1 =	slt.u32 s9, $0xF7A;
	s5 =	simm.s32 @!p2 $0x0  }
0x1d: {  	s5 =	simm.s32 @p1 $0x1;
	p0 =	seq.s32 s7, s2  }
0x1e: {  	s7 =	smul.u32 @!p0 $0xF7A, s2;
	p2 =	seq.s32 @!p0 s5, $0x0  }
0x1f: {  	s9 =	smul.u32 $0xF7A, s1;
	s8 =	simm.s32 @!p0 $0x1BF5;
	p2 =	por !p2, p0  }
0x20: {  	[sflag:s8] =	ssyncset.s32 @!p0 $0xFFFFF086;
	s6 =	sadd.s32 @!p0 s3, s7;
	s7 =	simm.s32 @!p0 $0x108  }
0x21: {  	s3 =	sadd.s32 s3, s9;
	s6 =	sadd.s32 @!p0 $0x88, s6;
	s7 =	simm.s32 @p2 $0x1082  }
0x22: {  	[simem:s7], [sflag:s8] =	dma.local @!p0 [hbm:s6], $0xF7A  }
0x23: {  	s9 =	sor.u32 $0xD0000000, s2;
	s6 =	simm.s32 $0x108;
	_ =	swait.ge @!p0 [sflag:s8], $0x0  }
0x24: {  	s3 =	sadd.s32 $0x88, s3;
	s6 =	simm.s32 @!p1 $0x1082;
	[sflag:s4] =	ssyncset.s32 $0xFFFFF086  }
0x25: {  	[simem:s6], [sflag:s4] =	dma.local [hbm:s3], $0xF7A  }
0x26: {  	[smem:$0x3F96] =	sst s1;
	(tag) =	ssettag s2;
	_ =	strace s9  }
0x27: {  	s1 =	sld [smem:$0x3FA6]  }
0x28: {  	s2 =	sld [smem:$0x3FA7]  }
0x29: {  	s4 =	sld [smem:$0x3FA9]  }
0x2a: {  	p0 =	seq.s32 s5, $0x0;
	s5 =	sld [smem:$0x3FAA]  }
0x2b: {  	s6 =	sld [smem:$0x3FAB]  }
0x2c: {  	s7 =	sld [smem:$0x3FAC]  }
0x2d: {  	s3 =	simm.s32 $0x108;
	s8 =	sld [smem:$0x3FAD]  }
0x2e: {  	s3 =	simm.s32 @!p0 $0x1082;
	s9 =	sld [smem:$0x3FAE]  }
0x2f: {  	lr =	sadd.s32 s0, s3;
	s0 =	sld [smem:$0x3FA5]  }
0x30: {  	s3 =	sld [smem:$0x3FA8]  }
0x31: {  	[smem:$0x3FB1] =	sst s10  }
0x32: {  	s10 =	sld [smem:$0x3FAF];
	_ =	sdelay $0x3  }
0x33: {  	p0 =	seq.s32 s10, $0x1;
	s10 =	sld [smem:$0x3FB1];
	_ =	sdelay $0x3  }
0x34: {  	[smem:$0x3FB1] =	sst s10  }
0x35: {  	s10 =	sld [smem:$0x3FB0];
	_ =	sdelay $0x3  }
0x36: {  	p1 =	seq.s32 s10, $0x1;
	s10 =	sld [smem:$0x3FB1];
	_ =	sdelay $0x3  }
0x37: {  	[smem:$0x3FB1] =	sst s10  }
0x38: {  	s10 =	sld [smem:$0x3FB2]  }
0x39: {  	_ = 	snop;
	(pc) =	sbr.ind lr, $3  }
0x3a: {  	_ = 	snop  }
0x3b: {  	_ = 	snop  }
0x3c: {  	p2 =	seq.s32 s10, $0x1;
	s10 =	sld [smem:$0x3FB1]  }
0x3d: {  	_ =	shalt  }
0x3e: {  	_ =	shalt  }
0x3f: {  	_ =	shalt  }
0x40: {  	_ =	shalt  }
0x41: {  	_ =	shalt  }
0x42: {  	_ =	shalt  }
0x43: {  	_ =	shalt  }
0x44: {  	_ =	shalt  }
0x45: {  	_ =	shalt  }
0x46: {  	_ =	shalt  }
0x47: {  	_ =	shalt  }
0x48: {  	_ =	shalt  }
0x49: {  	_ =	shalt  }
0x4a: {  	_ =	shalt  }
0x4b: {  	_ =	shalt  }
0x4c: {  	_ =	shalt  }
0x4d: {  	_ =	shalt  }
0x4e: {  	_ =	shalt  }
0x4f: {  	_ =	shalt  }
0x50: {  	_ =	shalt  }
0x51: {  	_ =	shalt  }
0x52: {  	_ =	shalt  }
0x53: {  	_ =	shalt  }
0x54: {  	_ =	shalt  }
0x55: {  	_ =	shalt  }
0x56: {  	_ =	shalt  }
0x57: {  	_ =	shalt  }
0x58: {  	_ =	shalt  }
0x59: {  	_ =	shalt  }
0x5a: {  	_ =	shalt  }
0x5b: {  	_ =	shalt  }
0x5c: {  	_ =	shalt  }
0x5d: {  	_ =	shalt  }
0x5e: {  	_ =	shalt  }
0x5f: {  	_ =	shalt  }
0x60: {  	_ =	shalt  }
0x61: {  	_ =	shalt  }
0x62: {  	_ =	shalt  }
0x63: {  	_ =	shalt  }
0x64: {  	_ =	shalt  }
0x65: {  	_ =	shalt  }
0x66: {  	_ =	shalt  }
0x67: {  	_ =	shalt  }
0x68: {  	_ =	shalt  }
0x69: {  	_ =	shalt  }
0x6a: {  	_ =	shalt  }
0x6b: {  	_ =	shalt  }
0x6c: {  	_ =	shalt  }
0x6d: {  	_ =	shalt  }
0x6e: {  	_ =	shalt  }
0x6f: {  	_ =	shalt  }
0x70: {  	_ =	shalt  }
0x71: {  	_ =	shalt  }
0x72: {  	_ =	shalt  }
0x73: {  	_ =	shalt  }
0x74: {  	_ =	shalt  }
0x75: {  	_ =	shalt  }
0x76: {  	_ =	shalt  }
0x77: {  	_ =	shalt  }
0x78: {  	_ =	shalt  }
0x79: {  	_ =	shalt  }
0x7a: {  	_ =	shalt  }
0x7b: {  	_ =	shalt  }
0x7c: {  	_ =	shalt  }
0x7d: {  	_ =	shalt  }
0x7e: {  	_ =	shalt  }
0x7f: {  	_ =	shalt  }
0x80: {  	_ =	shalt  }
0x81: {  	_ =	shalt  }
0x82: {  	_ =	shalt  }
0x83: {  	_ =	shalt  }
0x84: {  	_ =	shalt  }
0x85: {  	_ =	shalt  }
0x86: {  	_ =	shalt  }
0x87: {  	_ =	shalt  }
.Lfunc_end0:
.L_simem_size_0:
called_computation.1_lowered:
.L_overlay_start_0:
0x88: {  	s2 =	sld [smem:$0x3FD9]  }
0x89: {  	s3 =	sld [smem:$0x3FFE];
	_ =	sdelay $0x1  }
0x8a: {  	s1 =	srdreg.scid  }
0x8b: {  	s0 =	sand.u32 $0x1, s1  }
0x8c: {  	s16 =	sshll.u32 s0, $0xA;
	s2 =	sadd.s32 s3, s2  }
0x8d: {  	s2 =	sadd.s32 s2, s16  }
0x8e: {  	[smem:$0x3FBD] =	sst s2  }
0x8f: {  	_ = 	snop  }
0x90: {  	(tm) =	ssettm $0x1  }
0x91: {  	s17 =	sld [smem:$0x3FFB];
	_ =	sdelay $0x3  }
0x92: {  	_ =	strace s17  }
0x93: {  	s2 =	sld [smem:$0x3FFC];
	_ =	sdelay $0x3  }
0x94: {  	_ =	strace s2  }
0x95: {  	s2 =	sld [smem:$0x3FFD];
	_ =	sdelay $0x3  }
0x96: {  	_ =	strace s2  }
0x97: {  	_ =	strace $0x8FFFFFFF  }
0x98: {  	s18 =	sld [smem:$0x3FDB];
	_ =	sdelay $0x1  }
0x99: {  	s19 =	simm.s32 $_scs_section_size  }
0x9a: {  	s4 =	simm.s32 $_size__tile_overlayer_lowered;
	s5 =	simm.s32 $_tile_overlayer_lowered  }
0x9b: {  	s22 =	simm.s32 $0x1BFF;
	s21 =	sshll.u32 s5, $0x1;
	s2 =	sadd.s32 s19, s18  }
0x9c: {  	s6 =	simm.s32 $0x0;
	s20 =	sshll.u32 s4, $0x1;
	s4 =	sadd.s32 s21, s2  }
0x9d: {  	[timem:s6], [sflag:s22] =	dma.local [hbm:s4], s20  }
0x9e: {  	_ =	swait.ge [sflag:s22], s20  }
0x9f: {  	s3 =	ssub.s32 $0x0, s20;
	[sflag:s22] =	ssyncset.done $0x0  }
0xa0: {  	[sflag:s22] =	ssyncadd.s32 s3;
	_ =	sdelay $0x1  }
0xa1: {  	s23 =	simm.s32 $0x1B8B  }
0xa2: {  	_ =	swait.ge [sflag:s23], $0x1  }
0xa3: {  	[sflag:s23] =	ssyncset.done $0x0  }
0xa4: {  	s25 =	simm.s32 $0x1B8E;
	s24 =	sld [smem:$0x3FFE];
	[sflag:s23] =	ssyncadd.s32 $0xFFFFFFFF  }
0xa5: {  	s26 =	simm.s32 $execute0_lowered;
	[smem:$0x3FD2] =	sst s25  }
0xa6: {  	s4 =	sshll.u32 s26, $0x1;
	_ =	strace $0x80000049;
	[dreg:$0x1] =	wrdreg $0xFFFFFFFF  }
0xa7: {  	s28 =	simm.s32 $_size_execute0_lowered;
	s2 =	sadd.s32 s2, s4;
	[dreg:$0x0] =	wrdreg $0x0  }
0xa8: {  	s4 =	sshll.u32 s28, $0x1;
	[dreg:$0x2] =	wrdreg s2  }
0xa9: {  	[dreg:$0x3] =	wrdreg s4  }
0xaa: {  	[dreg:$0x4] =	wrdreg $0xC0  }
0xab: {  	_ =	task [dreg:s6], $0x5FFFF  }
0xac: {  	[dreg:$0x1] =	wrdreg $0xFFFFFFFF  }
0xad: {  	[dreg:$0x0] =	wrdreg $0x60  }
0xae: {  	[dreg:$0x2] =	wrdreg s24  }
0xaf: {  	[dreg:$0x3] =	wrdreg $0xBD800  }
0xb0: {  	[dreg:$0x4] =	wrdreg $0x9  }
0xb1: {  	_ =	task.clear_ibuf [dreg:s6], $0x5FFFF;
	_ =	strace $0x90000049  }
0xb2: {  	s29 =	simm.s32 $0x9;
	_ =	strace $0x8000004B  }
0xb3: {  	_ =	swait.ge [sflag:s29], $0x1  }
0xb4: {  	[sflag:s29] =	ssyncadd.s32 $0xFFFFFFFF  }
0xb5: {  	_ =	strace $0x9000004B  }
0xb6: {  	_ =	sfence  }
0xb7: {  	s30 =	sld [smem:$0x0];
	_ =	sdelay $0x2  }
0xb8: {  	s31 =	sshll.u32 s1, $0xD;
	s1 =	sshrl.u32 s1, $0x2  }
0xb9: {  	s3 =	sand.u32 $0x4000, s31;
	s1 =	sadd.s32 s1, s30  }
0xba: {  	s0 =	sor.u32 s3, s0;
	s1 =	sshll.u32 s1, $0x11  }
0xbb: {  	s0 =	sor.u32 s1, s0  }
0xbc: {  	s0 =	sadd.s32 $0x8F2B, s0  }
0xbd: {  	[sflag:s0] =	ssyncadd.remote.s32 $0x1  }
0xbe: {  	_ =	sfence.sel $0xFFFF  }
0xbf: {  	[dreg:$0x0] =	wrdreg $0xFFFFFFFF;
	(pc) =	sbr.abs _section_cstart, $3  }
0xc0: {  	[dreg:$0x1] =	wrdreg $0xFFFFFFFF  }
0xc1: {  	_ =	task.clear_ibuf [dreg:s6], $0x2FFFF;
	_ =	strace $0x9FFFFFFF  }
0xc2: {  	(tm) =	ssettm $0x7FFFFFFF  }
0xc3: {  	_ =	shalt  }
tec
execute0_lowered:
.L_overlay_start_1:
0x0: {  	(tag) =	ssettag $0x1  }
0x1: {  	s0 =	srdreg.scid  }
0x2: {  	s1 =	rddreg [dreg:$0x0];
	s12 =	stileid.u32  }
0x3: {  	s2 =	rddreg [dreg:$0x1];
	s16 =	simm.s32 $0x7;
	s17 =	simm.s32 $0x1  }
0x4: {  	s18 =	simm.s32 $0x4400;
	s19 =	simm.s32 $0x50;
	s28 =	simm.s32 $0x5  }
0x5: {  	s29 =	simm.s32 $0x3;
	s30 =	simm.s32 $0x6;
	s31 =	simm.s32 $0x0  }
0x6: {  	s0 =	sand.u32 $0x1, s0;
	s7 =	smul.u32 $0x13C00, s12;
	s5 =	sadd.s32 $0x45C00, s1  }
0x7: {  	s6 =	sadd.s32 $0x94C00, s1;
	s20 =	smul.u32 $0x4F000, s12;
	s25 =	sshll.u32 s12, $0x6  }
0x8: {  	s3 =	sshll.u32 s0, $0x4;
	s9 =	smul.u32 $0x13C000, s0;
	s0 =	ssub.s32 $0x2, s0  }
0x9: {  	s4 =	sor.u32 s12, s3;
	s3 =	simm.s32 $0x0;
	s11 =	sshrl.u32 s7, $0x3  }
0xa: {  	s21 =	sshrl.u32 s0, $0x1;
	s4 =	smul.u32 $0x4400, s4;
	[smem:$0x7FF] =	sst s3  }
0xb: {  	s7 =	sadd.s32 s7, s9;
	s11 =	sadd.s32 s11, s1;
	s9 =	sshrl.u32 s20, $0x2  }
0xc: {  	s0 =	ssub.s32 s0, s21;
	s20 =	simm.s32 $0x4580;
	s21 =	simm.s32 $0x4480  }
0xd: {  	_ =	strace $0x8000004A;
	s7 =	sshrl.u32 s7, $0x3;
	s23 =	sadd.s32 s9, s2  }
0xe: {  	s24 =	sadd.s32 $0x1E400, s11;
	s14 =	smax.u32 s0, $0x1;
	s8 =	sshrl.u32 s4, $0x3  }
0xf: {  	[dreg:$0x4] =	wrdreg s24;
	s15 =	sshrl.u32 s23, $0x3;
	s23 =	simm.s32 $0x4500  }
0x10: {  	s24 =	simm.s32 $0x9580;
	s10 =	sadd.s32 s8, s1;
	s1 =	sadd.s32 s7, s1  }
0x11: {  	s9 =	sadd.s32 s6, s8;
	s22 =	sadd.s32 $0xA5C00, s10;
	s10 =	sor.u32 $0x1C07, s25  }
0x12: {  	s8 =	sadd.s32 $0x10, s9;
	s26 =	sadd.s32 $0x20, s9;
	[dreg:$0x3] =	wrdreg s22  }
0x13: {  	s13 =	sadd.s32 $0xB6C00, s1;
	s25 =	simm.s32 $0x4;
	[dreg:$0x5] =	wrdreg s8  }
0x14: {  	[dreg:$0x6] =	wrdreg s26;
	s22 =	simm.s32 $0x6D80;
	s26 =	simm.s32 $0x2  }
.LBB2_1:
0x15: {  	s0 =	rddreg [dreg:$0x3]  }
0x16: {  	s11 =	rddreg [dreg:$0x4]  }
0x17: {  	[tilespmem:s3], [sflag:$0x1] =	stream.linear.gather [hbm4b:s0+s3], $0x4080, $0x38;
	[tilespmem:$0x1F980] =	vst v63  }
0x18: {  	[spmem:s15], [sflag:s10] =	dma.local [hbm:s11], $0x2780  }
0x19: {  	_ =	swait.ge [sflag:s16], $0x2780  }
0x1a: {  	[sflag:s16] =	ssyncset.done $0x0  }
0x1b: {  	[sflag:s16] =	ssyncadd.s32 $0xFFFFD880  }
0x1c: {  	_ =	swait.ge [sflag:s17], $0x4080  }
0x1d: {  	[sflag:s17] =	ssyncset.done $0x0  }
0x1e: {  	[sflag:s17] =	ssyncadd.s32 $0xFFFFBF80  }
0x1f: {  	[bflag:$0x0] =	sbarrier.arrive $0xFFFF  }
0x20: {  	[tilespmem:s18], [sflag:$0x7] =	stream.linear.gather [hbm4b:s9+s3], $0x80, $0x38;
	[tilespmem:$0x1F980] =	vst v63  }
0x21: {  	_ =	swait.ge [sflag:s16], $0x80  }
0x22: {  	[sflag:s16] =	ssyncset.done $0x0  }
0x23: {  	[sflag:s16] =	ssyncadd.s32 $0xFFFFFF80  }
0x24: {  	[tilespmem:s20], [sflag:$0x1] =	stream.indirect.gather [hbm4b:s5+s19], $0x80, s18, s19, $0xb8;
	[tilespmem:$0x1F980] =	vst v63  }
0x25: {  	s12 =	rddreg [dreg:$0x5]  }
0x26: {  	[tilespmem:s21], [sflag:$0x7] =	stream.linear.gather [hbm4b:s12+s3], $0x80, $0x38;
	[tilespmem:$0x1F980] =	vst v63  }
0x27: {  	_ =	swait.ge [sflag:s16], $0x80  }
0x28: {  	[sflag:s16] =	ssyncset.done $0x0  }
0x29: {  	[sflag:s16] =	ssyncadd.s32 $0xFFFFFF80  }
0x2a: {  	[tilespmem:s22], [sflag:$0x2] =	stream.indirect.gather [hbm4b:s5+s19], $0x80, s21, s19, $0xb8;
	[tilespmem:$0x1F980] =	vst v63  }
0x2b: {  	s1 =	rddreg [dreg:$0x6]  }
0x2c: {  	[tilespmem:s23], [sflag:$0x7] =	stream.linear.gather [hbm4b:s1+s3], $0x80, $0x38;
	[tilespmem:$0x1F980] =	vst v63  }
0x2d: {  	s7 =	simm.s32 $0x180;
	_ =	swait.ge [sflag:s16], $0x80  }
0x2e: {  	s1 =	sand.u32 $0xFC00, s7;
	[sflag:s16] =	ssyncset.done $0x0  }
0x2f: {  	s0 =	sand.u32 $0x380, s7;
	s1 =	sadd.s32 s4, s1;
	[sflag:s16] =	ssyncadd.s32 $0xFFFFFF80  }
0x30: {  	[tilespmem:s24], [sflag:$0x3] =	stream.indirect.gather [hbm4b:s5+s19], $0x80, s23, s19, $0xb8;
	[tilespmem:$0x1F980] =	vst v63  }
0x31: {  	s0 =	sor.u32 s0, s1;
	_ =	swait.ge [sflag:s17], $0x2800  }
0x32: {  	s0 =	sshrl.u32 s0, $0x3;
	[sflag:s17] =	ssyncset.done $0x0  }
0x33: {  	s0 =	sadd.s32 s6, s0;
	[sflag:s17] =	ssyncadd.s32 $0xFFFFD800  }
0x34: {  	[tilespmem:s18], [sflag:$0x4] =	stream.linear.gather [hbm4b:s0+s3], $0x80, $0x38;
	[tilespmem:$0x1F980] =	vst v63  }
0x35: {  	s8 =	simm.s32 $0x0  }
0x36: {  	[spmem:s2] =	stream.indirect.scatter.add.f32 [tilespmem:s20], [sflag:$0x7], $0x80, s8, s19, $0xb8;
	[tilespmem:$0x1F980] =	vst v63  }
0x37: {  	_ =	swait.ge [sflag:s16], $0x2800  }
0x38: {  	[sflag:s16] =	ssyncset.done $0x0  }
0x39: {  	[sflag:s16] =	ssyncadd.s32 $0xFFFFD800  }
0x3a: {  	s11 =	simm.s32 $0x200;
	_ =	swait.ge [sflag:s25], $0x80  }
0x3b: {  	s12 =	sand.u32 $0xFC00, s11;
	[sflag:s25] =	ssyncset.done $0x0  }
0x3c: {  	s1 =	sadd.s32 s4, s12;
	s0 =	sand.u32 $0x380, s11;
	[sflag:s25] =	ssyncadd.s32 $0xFFFFFF80  }
0x3d: {  	[tilespmem:s20], [sflag:$0x1] =	stream.indirect.gather [hbm4b:s5+s19], $0x80, s18, s19, $0xb8;
	[tilespmem:$0x1F980] =	vst v63  }
0x3e: {  	s0 =	sor.u32 s0, s1;
	_ =	swait.ge [sflag:s26], $0x2800  }
0x3f: {  	s0 =	sshrl.u32 s0, $0x3;
	[sflag:s26] =	ssyncset.done $0x0  }
0x40: {  	s0 =	sadd.s32 s6, s0;
	[sflag:s26] =	ssyncadd.s32 $0xFFFFD800  }
0x41: {  	[tilespmem:s21], [sflag:$0x5] =	stream.linear.gather [hbm4b:s0+s3], $0x80, $0x38;
	[tilespmem:$0x1F980] =	vst v63  }
0x42: {  	s7 =	simm.s32 $0x80  }
0x43: {  	[spmem:s2] =	stream.indirect.scatter.add.f32 [tilespmem:s22], [sflag:$0x7], $0x80, s7, s19, $0xb8;
	[tilespmem:$0x1F980] =	vst v63  }
0x44: {  	_ =	swait.ge [sflag:s16], $0x2800  }
0x45: {  	[sflag:s16] =	ssyncset.done $0x0  }
0x46: {  	[sflag:s16] =	ssyncadd.s32 $0xFFFFD800  }
0x47: {  	s8 =	simm.s32 $0x280;
	_ =	swait.ge [sflag:s28], $0x80  }
0x48: {  	s11 =	sand.u32 $0xFC00, s8;
	[sflag:s28] =	ssyncset.done $0x0  }
0x49: {  	s1 =	sadd.s32 s4, s11;
	s0 =	sand.u32 $0x380, s8;
	[sflag:s28] =	ssyncadd.s32 $0xFFFFFF80  }
0x4a: {  	[tilespmem:s22], [sflag:$0x2] =	stream.indirect.gather [hbm4b:s5+s19], $0x80, s21, s19, $0xb8;
	[tilespmem:$0x1F980] =	vst v63  }
0x4b: {  	s0 =	sor.u32 s0, s1;
	_ =	swait.ge [sflag:s29], $0x2800  }
0x4c: {  	s0 =	sshrl.u32 s0, $0x3;
	[sflag:s29] =	ssyncset.done $0x0  }
0x4d: {  	s0 =	sadd.s32 s6, s0;
	[sflag:s29] =	ssyncadd.s32 $0xFFFFD800  }
0x4e: {  	[tilespmem:s23], [sflag:$0x6] =	stream.linear.gather [hbm4b:s0+s3], $0x80, $0x38;
	[tilespmem:$0x1F980] =	vst v63  }
0x4f: {  	s0 =	simm.s32 $0x100  }
0x50: {  	[spmem:s2] =	stream.indirect.scatter.add.f32 [tilespmem:s24], [sflag:$0x7], $0x80, s0, s19, $0xb8;
	[tilespmem:$0x1F980] =	vst v63  }
0x51: {  	s12 =	simm.s32 $0x300;
	_ =	swait.ge [sflag:s16], $0x2800  }
0x52: {  	s7 =	sand.u32 $0xFC00, s12;
	[sflag:s16] =	ssyncset.done $0x0  }
0x53: {  	s8 =	sand.u32 $0x380, s12;
	s7 =	sadd.s32 s4, s7;
	[sflag:s16] =	ssyncadd.s32 $0xFFFFD800  }
0x54: {  	s1 =	simm.s32 $0x400;
	s8 =	sor.u32 s8, s7;
	_ =	swait.ge [sflag:s30], $0x80  }
0x55: {  	s7 =	simm.s32 $0x580;
	s11 =	sshrl.u32 s8, $0x3;
	[sflag:s30] =	ssyncset.done $0x0  }
.LBB2_2:
0x56: {  	[sflag:s30] =	ssyncadd.s32 $0xFFFFFF80  }
0x57: {  	s0 =	sadd.s32 $0x180, s0;
	s8 =	smov.u32 s7;
	s12 =	sadd.s32 $0x180, s7  }
0x58: {  	[tilespmem:s24], [sflag:$0x3] =	stream.indirect.gather [hbm4b:s5+s19], $0x80, s23, s19, $0xb8;
	[tilespmem:$0x1F980] =	vst v63  }
0x59: {  	p0 =	sne.s32 s7, $0x4000;
	_ =	swait.ge [sflag:s17], $0x2800  }
0x5a: {  	s7 =	sadd.s32 s6, s11;
	[sflag:s17] =	ssyncset.done $0x0  }
0x5b: {  	[sflag:s17] =	ssyncadd.s32 $0xFFFFD800  }
0x5c: {  	[tilespmem:s18], [sflag:$0x4] =	stream.linear.gather [hbm4b:s7+s3], $0x80, $0x38;
	[tilespmem:$0x1F980] =	vst v63  }
0x5d: {  	s7 =	sadd.s32 $0xFFFFFF00, s0  }
0x5e: {  	[spmem:s2] =	stream.indirect.scatter.add.f32 [tilespmem:s20], [sflag:$0x7], $0x80, s7, s19, $0xb8;
	[tilespmem:$0x1F980] =	vst v63  }
0x5f: {  	_ =	swait.ge [sflag:s16], $0x2800  }
0x60: {  	[sflag:s16] =	ssyncset.done $0x0  }
0x61: {  	[sflag:s16] =	ssyncadd.s32 $0xFFFFD800  }
0x62: {  	s7 =	sadd.s32 $0xFFFFFF80, s1;
	_ =	swait.ge [sflag:s25], $0x80  }
0x63: {  	s11 =	sand.u32 $0xFC00, s7;
	s7 =	sand.u32 $0x380, s7;
	[sflag:s25] =	ssyncset.done $0x0  }
0x64: {  	s11 =	sadd.s32 s4, s11;
	[sflag:s25] =	ssyncadd.s32 $0xFFFFFF80  }
0x65: {  	[tilespmem:s20], [sflag:$0x1] =	stream.indirect.gather [hbm4b:s5+s19], $0x80, s18, s19, $0xb8;
	[tilespmem:$0x1F980] =	vst v63  }
0x66: {  	s7 =	sor.u32 s7, s11;
	_ =	swait.ge [sflag:s26], $0x2800  }
0x67: {  	s7 =	sshrl.u32 s7, $0x3;
	[sflag:s26] =	ssyncset.done $0x0  }
0x68: {  	s11 =	sadd.s32 $0xFFFFFF80, s0;
	s7 =	sadd.s32 s6, s7;
	[sflag:s26] =	ssyncadd.s32 $0xFFFFD800  }
0x69: {  	[tilespmem:s21], [sflag:$0x5] =	stream.linear.gather [hbm4b:s7+s3], $0x80, $0x38;
	[tilespmem:$0x1F980] =	vst v63  }
0x6a: {  	_ = 	snop  }
0x6b: {  	[spmem:s2] =	stream.indirect.scatter.add.f32 [tilespmem:s22], [sflag:$0x7], $0x80, s11, s19, $0xb8;
	[tilespmem:$0x1F980] =	vst v63  }
0x6c: {  	_ =	swait.ge [sflag:s16], $0x2800  }
0x6d: {  	[sflag:s16] =	ssyncset.done $0x0  }
0x6e: {  	[sflag:s16] =	ssyncadd.s32 $0xFFFFD800  }
0x6f: {  	_ =	swait.ge [sflag:s28], $0x80  }
0x70: {  	s7 =	sand.u32 $0xFC00, s1;
	[sflag:s28] =	ssyncset.done $0x0  }
0x71: {  	s1 =	sand.u32 $0x380, s1;
	s7 =	sadd.s32 s4, s7;
	[sflag:s28] =	ssyncadd.s32 $0xFFFFFF80  }
0x72: {  	[tilespmem:s22], [sflag:$0x2] =	stream.indirect.gather [hbm4b:s5+s19], $0x80, s21, s19, $0xb8;
	[tilespmem:$0x1F980] =	vst v63  }
0x73: {  	s7 =	sor.u32 s1, s7;
	s1 =	smov.u32 s8;
	_ =	swait.ge [sflag:s29], $0x2800  }
0x74: {  	s7 =	sshrl.u32 s7, $0x3;
	[sflag:s29] =	ssyncset.done $0x0  }
0x75: {  	s7 =	sadd.s32 s6, s7;
	[sflag:s29] =	ssyncadd.s32 $0xFFFFD800  }
0x76: {  	[tilespmem:s23], [sflag:$0x6] =	stream.linear.gather [hbm4b:s7+s3], $0x80, $0x38;
	[tilespmem:$0x1F980] =	vst v63  }
0x77: {  	_ = 	snop  }
0x78: {  	[spmem:s2] =	stream.indirect.scatter.add.f32 [tilespmem:s24], [sflag:$0x7], $0x80, s0, s19, $0xb8;
	[tilespmem:$0x1F980] =	vst v63  }
.Ltmp0:
0x79: {  	s7 =	sadd.s32 $0xFFFFFF00, s1;
	_ =	swait.ge [sflag:s16], $0x2800;
	(pc) =	sbr.rel @p0 .LBB2_2-.Ltmp0, $4  }
0x7a: {  	s8 =	sand.u32 $0xFC00, s7;
	s7 =	sand.u32 $0x380, s7;
	[sflag:s16] =	ssyncset.done $0x0  }
0x7b: {  	s8 =	sadd.s32 s4, s8;
	[sflag:s16] =	ssyncadd.s32 $0xFFFFD800  }
0x7c: {  	s7 =	sor.u32 s7, s8;
	_ =	swait.ge [sflag:s30], $0x80  }
0x7d: {  	s11 =	sshrl.u32 s7, $0x3;
	s7 =	smov.u32 s12;
	[sflag:s30] =	ssyncset.done $0x0  }
0x7e: {  	[sflag:s30] =	ssyncadd.s32 $0xFFFFFF80  }
0x7f: {  	[tilespmem:s24], [sflag:$0x3] =	stream.indirect.gather [hbm4b:s5+s19], $0x80, s23, s19, $0xb8;
	[tilespmem:$0x1F980] =	vst v63  }
0x80: {  	_ =	swait.ge [sflag:s17], $0x2800  }
0x81: {  	[sflag:s17] =	ssyncset.done $0x0  }
0x82: {  	s0 =	sadd.s32 $0x180, s0;
	s7 =	sadd.s32 s6, s11;
	[sflag:s17] =	ssyncadd.s32 $0xFFFFD800  }
0x83: {  	[tilespmem:s18], [sflag:$0x4] =	stream.linear.gather [hbm4b:s7+s3], $0x80, $0x38;
	[tilespmem:$0x1F980] =	vst v63  }
0x84: {  	s11 =	sadd.s32 $0xFFFFFF00, s0  }
0x85: {  	[spmem:s2] =	stream.indirect.scatter.add.f32 [tilespmem:s20], [sflag:$0x7], $0x80, s11, s19, $0xb8;
	[tilespmem:$0x1F980] =	vst v63  }
0x86: {  	_ =	swait.ge [sflag:s16], $0x2800  }
0x87: {  	[sflag:s16] =	ssyncset.done $0x0  }
0x88: {  	[sflag:s16] =	ssyncadd.s32 $0xFFFFD800  }
0x89: {  	s12 =	sadd.s32 $0xFFFFFF80, s1;
	_ =	swait.ge [sflag:s25], $0x80  }
0x8a: {  	s8 =	sand.u32 $0xFC00, s12;
	[sflag:s25] =	ssyncset.done $0x0  }
0x8b: {  	s8 =	sadd.s32 s4, s8;
	s7 =	sand.u32 $0x380, s12;
	[sflag:s25] =	ssyncadd.s32 $0xFFFFFF80  }
0x8c: {  	[tilespmem:s20], [sflag:$0x1] =	stream.indirect.gather [hbm4b:s5+s19], $0x80, s18, s19, $0xb8;
	[tilespmem:$0x1F980] =	vst v63  }
0x8d: {  	s7 =	sor.u32 s7, s8;
	_ =	swait.ge [sflag:s26], $0x2800  }
0x8e: {  	s7 =	sshrl.u32 s7, $0x3;
	[sflag:s26] =	ssyncset.done $0x0  }
0x8f: {  	s7 =	sadd.s32 s6, s7;
	[sflag:s26] =	ssyncadd.s32 $0xFFFFD800  }
0x90: {  	[tilespmem:s21], [sflag:$0x5] =	stream.linear.gather [hbm4b:s7+s3], $0x80, $0x38;
	[tilespmem:$0x1F980] =	vst v63  }
0x91: {  	s8 =	sadd.s32 $0xFFFFFF80, s0  }
0x92: {  	[spmem:s2] =	stream.indirect.scatter.add.f32 [tilespmem:s22], [sflag:$0x7], $0x80, s8, s19, $0xb8;
	[tilespmem:$0x1F980] =	vst v63  }
0x93: {  	_ =	swait.ge [sflag:s16], $0x2800  }
0x94: {  	[sflag:s16] =	ssyncset.done $0x0  }
0x95: {  	[sflag:s16] =	ssyncadd.s32 $0xFFFFD800  }
0x96: {  	_ =	swait.ge [sflag:s28], $0x80  }
0x97: {  	s11 =	sand.u32 $0xFC00, s1;
	[sflag:s28] =	ssyncset.done $0x0  }
0x98: {  	s12 =	sand.u32 $0x380, s1;
	s7 =	sadd.s32 s4, s11;
	[sflag:s28] =	ssyncadd.s32 $0xFFFFFF80  }
0x99: {  	[tilespmem:s22], [sflag:$0x2] =	stream.indirect.gather [hbm4b:s5+s19], $0x80, s21, s19, $0xb8;
	[tilespmem:$0x1F980] =	vst v63  }
0x9a: {  	s1 =	sor.u32 s12, s7;
	_ =	swait.ge [sflag:s29], $0x2800  }
0x9b: {  	s1 =	sshrl.u32 s1, $0x3;
	[sflag:s29] =	ssyncset.done $0x0  }
0x9c: {  	s1 =	sadd.s32 s6, s1;
	[sflag:s29] =	ssyncadd.s32 $0xFFFFD800  }
0x9d: {  	[tilespmem:s23], [sflag:$0x6] =	stream.linear.gather [hbm4b:s1+s3], $0x80, $0x38;
	[tilespmem:$0x1F980] =	vst v63  }
0x9e: {  	_ = 	snop  }
0x9f: {  	[spmem:s2] =	stream.indirect.scatter.add.f32 [tilespmem:s24], [sflag:$0x7], $0x80, s0, s19, $0xb8;
	[tilespmem:$0x1F980] =	vst v63  }
0xa0: {  	_ =	swait.ge [sflag:s16], $0x2800  }
0xa1: {  	[sflag:s16] =	ssyncset.done $0x0  }
0xa2: {  	[sflag:s16] =	ssyncadd.s32 $0xFFFFD800  }
0xa3: {  	_ =	swait.ge [sflag:s30], $0x80  }
0xa4: {  	[sflag:s30] =	ssyncset.done $0x0  }
0xa5: {  	[sflag:s30] =	ssyncadd.s32 $0xFFFFFF80  }
0xa6: {  	[tilespmem:s24], [sflag:$0x3] =	stream.indirect.gather [hbm4b:s5+s19], $0x80, s23, s19, $0xb8;
	[tilespmem:$0x1F980] =	vst v63  }
0xa7: {  	_ =	swait.ge [sflag:s17], $0x2800  }
0xa8: {  	[sflag:s17] =	ssyncset.done $0x0  }
0xa9: {  	s8 =	simm.s32 $0x3F00;
	[sflag:s17] =	ssyncadd.s32 $0xFFFFD800  }
0xaa: {  	[spmem:s2] =	stream.indirect.scatter.add.f32 [tilespmem:s20], [sflag:$0x7], $0x80, s8, s19, $0xb8;
	[tilespmem:$0x1F980] =	vst v63  }
0xab: {  	_ =	swait.ge [sflag:s16], $0x2800  }
0xac: {  	[sflag:s16] =	ssyncset.done $0x0  }
0xad: {  	[sflag:s16] =	ssyncadd.s32 $0xFFFFD800  }
0xae: {  	_ =	swait.ge [sflag:s26], $0x2800  }
0xaf: {  	[sflag:s26] =	ssyncset.done $0x0  }
0xb0: {  	s11 =	simm.s32 $0x3F80;
	[sflag:s26] =	ssyncadd.s32 $0xFFFFD800  }
0xb1: {  	[spmem:s2] =	stream.indirect.scatter.add.f32 [tilespmem:s22], [sflag:$0x7], $0x80, s11, s19, $0xb8;
	[tilespmem:$0x1F980] =	vst v63  }
0xb2: {  	_ =	swait.ge [sflag:s16], $0x2800  }
0xb3: {  	[sflag:s16] =	ssyncset.done $0x0  }
0xb4: {  	[sflag:s16] =	ssyncadd.s32 $0xFFFFD800  }
0xb5: {  	_ =	swait.ge [sflag:s29], $0x2800  }
0xb6: {  	[sflag:s29] =	ssyncset.done $0x0  }
0xb7: {  	s12 =	simm.s32 $0x4000;
	[sflag:s29] =	ssyncadd.s32 $0xFFFFD800  }
0xb8: {  	[spmem:s2] =	stream.indirect.scatter.add.f32 [tilespmem:s24], [sflag:$0x7], $0x80, s12, s19, $0xb8;
	[tilespmem:$0x1F980] =	vst v63  }
0xb9: {  	_ =	swait.ge [sflag:s16], $0x2800  }
0xba: {  	s31 =	sadd.s32 $0x1, s31;
	[sflag:s16] =	ssyncset.done $0x0  }
0xbb: {  	p0 =	sne.s32 s31, s14;
	[sflag:s16] =	ssyncadd.s32 $0xFFFFD800  }
.Ltmp1:
0xbc: {  	[bflag:$0x0] =	sbarrier.arrive $0xFFFF;
	(pc) =	sbr.rel @p0 .LBB2_1-.Ltmp1, $4  }
0xbd: {  	[hbm:s13], [sflag:s10] =	dma.local [spmem:s15], $0x2780  }
0xbe: {  	_ =	swait.ge [sflag:s16], $0x2780  }
0xbf: {  	[sflag:s16] =	ssyncset.done $0x0  }
0xc0: {  	[sflag:s16] =	ssyncadd.s32 $0xFFFFD880  }
0xc1: {  	_ =	sfence.sel $0x180000  }
0xc2: {  	[bflag:$0x0] =	sbarrier.arrive $0xFFFF  }
0xc3: {  	_ =	strace $0x9000004A  }
0xc4: {  	s0 =	stileid.u32;
	[bflag:$0x2] =	sbarrier.arrive $0xFFFF  }
0xc5: {  	p0 =	sne.s32 s0, $0x0;
	s0 =	rddreg [dreg:$0x2]  }
0xc6: {  	s0 =	sadd.s32 @!p0 $0x100000, s0  }
0xc7: {  	[sflag:s0] =	ssyncadd.tile.s32 @!p0 $0x1;
	_ =	shalt  }
.Lfunc_end2:
_tile_overlayer_lowered:
.L_overlay_start_2:
0xc8: {  	(tag) =	ssettag $0x2  }
0xc9: {  	s0 =	rddreg [dreg:$0x0];
	s2 =	stileid.u32  }
0xca: {  	s1 =	rddreg [dreg:$0x1];
	p0 =	sne.s32 s2, $0x0  }
0xcb: {  	s3 =	rddreg [dreg:$0x2];
	[bflag:$0x3] =	sbarrier.arrive $0xFFFF;
	s2 =	simm.s32 @!p0 $0x1C07  }
0xcc: {  	[timem:s3], [sflag:s2] =	dma.local @!p0 [hbm:s0], s1  }
0xcd: {  	s0 =	simm.s32 @!p0 $0x7  }
0xce: {  	_ =	swait.ge @!p0 [sflag:s0], s1  }
0xcf: {  	s1 =	ssub.s32 @!p0 $0x0, s1;
	[sflag:s0] =	ssyncset.done @!p0 $0x0  }
0xd0: {  	[sflag:s0] =	ssyncadd.s32 @!p0 s1  }
0xd1: {  	[bflag:$0x3] =	sbarrier.arrive $0xFFFF  }
0xd2: {  	_ =	shalt  }

// kernel: kernel.14.cloned.1.call-start
scs
__scs_entry_jumppad:
0x0: {  	(pc) =	sbr.rel $0x88, $3  }
0x1: {  	(tag) =	ssettag $0x0;
	lr =	simm.s32 $0x1  }
0x2: {  	[smem:$0x3F96] =	sst lr;
	_ =	strace $0xD0000000  }
0x3: {  	_ = 	snop  }
0x4: {  	_ = 	snop  }
0x5: {  	_ = 	snop  }
0x6: {  	_ = 	snop  }
0x7: {  	_ = 	snop  }
__scs_overlays_trampoline_lowered:
0x8: {  	[smem:$0x3FA5] =	sst s0  }
0x9: {  	[smem:$0x3FA6] =	sst s1  }
0xa: {  	[smem:$0x3FA7] =	sst s2  }
0xb: {  	[smem:$0x3FA8] =	sst s3  }
0xc: {  	[smem:$0x3FA9] =	sst s4  }
0xd: {  	[smem:$0x3FAA] =	sst s5  }
0xe: {  	[smem:$0x3FAB] =	sst s6  }
0xf: {  	[smem:$0x3FAC] =	sst s7  }
0x10: {  	[smem:$0x3FAD] =	sst s8  }
0x11: {  	[smem:$0x3FAE] =	sst s9;
	s0 =	simm.s32 @!p0 $0x0  }
0x12: {  	s1 =	sld [smem:$0x3F94];
	s0 =	simm.s32 @p0 $0x1  }
0x13: {  	[smem:$0x3FAF] =	sst s0;
	s0 =	simm.s32 @!p1 $0x0  }
0x14: {  	s2 =	sld [smem:$0x3F93];
	s0 =	simm.s32 @p1 $0x1  }
0x15: {  	[smem:$0x3FB0] =	sst s0;
	s0 =	simm.s32 @!p2 $0x0  }
0x16: {  	s3 =	sld [smem:$0x3FDB];
	s0 =	simm.s32 @p2 $0x1  }
0x17: {  	s4 =	simm.s32 $0x1BF5;
	[smem:$0x3FB2] =	sst s0  }
0x18: {  	s0 =	sld [smem:$0x3F95];
	_ =	swait.ge [sflag:s4], $0x0  }
0x19: {  	s7 =	sld [smem:$0x3F96]  }
0x1a: {  	s8 =	sadd.s32 $0xFFFFE003, lr  }
0x1b: {  	s9 =	sadd.s32 $0xFFFFFEF7, lr;
	s5 =	simm.s32 $0xFFFFFFFF;
	p2 =	slt.u32 s8, $0xFFFFF086  }
0x1c: {  	p1 =	slt.u32 s9, $0xF7A;
	s5 =	simm.s32 @!p2 $0x0  }
0x1d: {  	s5 =	simm.s32 @p1 $0x1;
	p0 =	seq.s32 s7, s2  }
0x1e: {  	s7 =	smul.u32 @!p0 $0xF7A, s2;
	p2 =	seq.s32 @!p0 s5, $0x0  }
0x1f: {  	s9 =	smul.u32 $0xF7A, s1;
	s8 =	simm.s32 @!p0 $0x1BF5;
	p2 =	por !p2, p0  }
0x20: {  	[sflag:s8] =	ssyncset.s32 @!p0 $0xFFFFF086;
	s6 =	sadd.s32 @!p0 s3, s7;
	s7 =	simm.s32 @!p0 $0x108  }
0x21: {  	s3 =	sadd.s32 s3, s9;
	s6 =	sadd.s32 @!p0 $0x88, s6;
	s7 =	simm.s32 @p2 $0x1082  }
0x22: {  	[simem:s7], [sflag:s8] =	dma.local @!p0 [hbm:s6], $0xF7A  }
0x23: {  	s9 =	sor.u32 $0xD0000000, s2;
	s6 =	simm.s32 $0x108;
	_ =	swait.ge @!p0 [sflag:s8], $0x0  }
0x24: {  	s3 =	sadd.s32 $0x88, s3;
	s6 =	simm.s32 @!p1 $0x1082;
	[sflag:s4] =	ssyncset.s32 $0xFFFFF086  }
0x25: {  	[simem:s6], [sflag:s4] =	dma.local [hbm:s3], $0xF7A  }
0x26: {  	[smem:$0x3F96] =	sst s1;
	(tag) =	ssettag s2;
	_ =	strace s9  }
0x27: {  	s1 =	sld [smem:$0x3FA6]  }
0x28: {  	s2 =	sld [smem:$0x3FA7]  }
0x29: {  	s4 =	sld [smem:$0x3FA9]  }
0x2a: {  	p0 =	seq.s32 s5, $0x0;
	s5 =	sld [smem:$0x3FAA]  }
0x2b: {  	s6 =	sld [smem:$0x3FAB]  }
0x2c: {  	s7 =	sld [smem:$0x3FAC]  }
0x2d: {  	s3 =	simm.s32 $0x108;
	s8 =	sld [smem:$0x3FAD]  }
0x2e: {  	s3 =	simm.s32 @!p0 $0x1082;
	s9 =	sld [smem:$0x3FAE]  }
0x2f: {  	lr =	sadd.s32 s0, s3;
	s0 =	sld [smem:$0x3FA5]  }
0x30: {  	s3 =	sld [smem:$0x3FA8]  }
0x31: {  	[smem:$0x3FB1] =	sst s10  }
0x32: {  	s10 =	sld [smem:$0x3FAF];
	_ =	sdelay $0x3  }
0x33: {  	p0 =	seq.s32 s10, $0x1;
	s10 =	sld [smem:$0x3FB1];
	_ =	sdelay $0x3  }
0x34: {  	[smem:$0x3FB1] =	sst s10  }
0x35: {  	s10 =	sld [smem:$0x3FB0];
	_ =	sdelay $0x3  }
0x36: {  	p1 =	seq.s32 s10, $0x1;
	s10 =	sld [smem:$0x3FB1];
	_ =	sdelay $0x3  }
0x37: {  	[smem:$0x3FB1] =	sst s10  }
0x38: {  	s10 =	sld [smem:$0x3FB2]  }
0x39: {  	_ = 	snop;
	(pc) =	sbr.ind lr, $3  }
0x3a: {  	_ = 	snop  }
0x3b: {  	_ = 	snop  }
0x3c: {  	p2 =	seq.s32 s10, $0x1;
	s10 =	sld [smem:$0x3FB1]  }
0x3d: {  	_ =	shalt  }
0x3e: {  	_ =	shalt  }
0x3f: {  	_ =	shalt  }
0x40: {  	_ =	shalt  }
0x41: {  	_ =	shalt  }
0x42: {  	_ =	shalt  }
0x43: {  	_ =	shalt  }
0x44: {  	_ =	shalt  }
0x45: {  	_ =	shalt  }
0x46: {  	_ =	shalt  }
0x47: {  	_ =	shalt  }
0x48: {  	_ =	shalt  }
0x49: {  	_ =	shalt  }
0x4a: {  	_ =	shalt  }
0x4b: {  	_ =	shalt  }
0x4c: {  	_ =	shalt  }
0x4d: {  	_ =	shalt  }
0x4e: {  	_ =	shalt  }
0x4f: {  	_ =	shalt  }
0x50: {  	_ =	shalt  }
0x51: {  	_ =	shalt  }
0x52: {  	_ =	shalt  }
0x53: {  	_ =	shalt  }
0x54: {  	_ =	shalt  }
0x55: {  	_ =	shalt  }
0x56: {  	_ =	shalt  }
0x57: {  	_ =	shalt  }
0x58: {  	_ =	shalt  }
0x59: {  	_ =	shalt  }
0x5a: {  	_ =	shalt  }
0x5b: {  	_ =	shalt  }
0x5c: {  	_ =	shalt  }
0x5d: {  	_ =	shalt  }
0x5e: {  	_ =	shalt  }
0x5f: {  	_ =	shalt  }
0x60: {  	_ =	shalt  }
0x61: {  	_ =	shalt  }
0x62: {  	_ =	shalt  }
0x63: {  	_ =	shalt  }
0x64: {  	_ =	shalt  }
0x65: {  	_ =	shalt  }
0x66: {  	_ =	shalt  }
0x67: {  	_ =	shalt  }
0x68: {  	_ =	shalt  }
0x69: {  	_ =	shalt  }
0x6a: {  	_ =	shalt  }
0x6b: {  	_ =	shalt  }
0x6c: {  	_ =	shalt  }
0x6d: {  	_ =	shalt  }
0x6e: {  	_ =	shalt  }
0x6f: {  	_ =	shalt  }
0x70: {  	_ =	shalt  }
0x71: {  	_ =	shalt  }
0x72: {  	_ =	shalt  }
0x73: {  	_ =	shalt  }
0x74: {  	_ =	shalt  }
0x75: {  	_ =	shalt  }
0x76: {  	_ =	shalt  }
0x77: {  	_ =	shalt  }
0x78: {  	_ =	shalt  }
0x79: {  	_ =	shalt  }
0x7a: {  	_ =	shalt  }
0x7b: {  	_ =	shalt  }
0x7c: {  	_ =	shalt  }
0x7d: {  	_ =	shalt  }
0x7e: {  	_ =	shalt  }
0x7f: {  	_ =	shalt  }
0x80: {  	_ =	shalt  }
0x81: {  	_ =	shalt  }
0x82: {  	_ =	shalt  }
0x83: {  	_ =	shalt  }
0x84: {  	_ =	shalt  }
0x85: {  	_ =	shalt  }
0x86: {  	_ =	shalt  }
0x87: {  	_ =	shalt  }
.Lfunc_end0:
.L_simem_size_0:
called_computation.2_lowered:
.L_overlay_start_0:
0x88: {  	s2 =	sld [smem:$0x3FD9]  }
0x89: {  	s3 =	sld [smem:$0x3FFE];
	_ =	sdelay $0x1  }
0x8a: {  	s1 =	srdreg.scid  }
0x8b: {  	s0 =	sand.u32 $0x1, s1  }
0x8c: {  	s16 =	sshll.u32 s0, $0xA;
	s2 =	sadd.s32 s3, s2  }
0x8d: {  	s2 =	sadd.s32 s2, s16  }
0x8e: {  	[smem:$0x3FBD] =	sst s2  }
0x8f: {  	_ = 	snop  }
0x90: {  	(tm) =	ssettm $0x1  }
0x91: {  	s17 =	sld [smem:$0x3FFB];
	_ =	sdelay $0x3  }
0x92: {  	_ =	strace s17  }
0x93: {  	s2 =	sld [smem:$0x3FFC];
	_ =	sdelay $0x3  }
0x94: {  	_ =	strace s2  }
0x95: {  	s2 =	sld [smem:$0x3FFD];
	_ =	sdelay $0x3  }
0x96: {  	_ =	strace s2  }
0x97: {  	_ =	strace $0x8FFFFFFF  }
0x98: {  	s18 =	sld [smem:$0x3FDB];
	_ =	sdelay $0x1  }
0x99: {  	s19 =	simm.s32 $_scs_section_size  }
0x9a: {  	s4 =	simm.s32 $_size__tile_overlayer_lowered;
	s5 =	simm.s32 $_tile_overlayer_lowered  }
0x9b: {  	s22 =	simm.s32 $0x1BFF;
	s21 =	sshll.u32 s5, $0x1;
	s2 =	sadd.s32 s19, s18  }
0x9c: {  	s6 =	simm.s32 $0x0;
	s20 =	sshll.u32 s4, $0x1;
	s4 =	sadd.s32 s21, s2  }
0x9d: {  	[timem:s6], [sflag:s22] =	dma.local [hbm:s4], s20  }
0x9e: {  	_ =	swait.ge [sflag:s22], s20  }
0x9f: {  	s3 =	ssub.s32 $0x0, s20;
	[sflag:s22] =	ssyncset.done $0x0  }
0xa0: {  	[sflag:s22] =	ssyncadd.s32 s3;
	_ =	sdelay $0x1  }
0xa1: {  	s23 =	simm.s32 $0x1B8B  }
0xa2: {  	_ =	swait.ge [sflag:s23], $0x1  }
0xa3: {  	[sflag:s23] =	ssyncset.done $0x0  }
0xa4: {  	s25 =	simm.s32 $0x1B8E;
	s24 =	sld [smem:$0x3FFE];
	[sflag:s23] =	ssyncadd.s32 $0xFFFFFFFF  }
0xa5: {  	s26 =	simm.s32 $execute0_lowered;
	[smem:$0x3FD2] =	sst s25  }
0xa6: {  	s4 =	sshll.u32 s26, $0x1;
	_ =	strace $0x8000004C;
	[dreg:$0x1] =	wrdreg $0xFFFFFFFF  }
0xa7: {  	s28 =	simm.s32 $_size_execute0_lowered;
	s2 =	sadd.s32 s2, s4;
	[dreg:$0x0] =	wrdreg $0x0  }
0xa8: {  	s4 =	sshll.u32 s28, $0x1;
	[dreg:$0x2] =	wrdreg s2  }
0xa9: {  	[dreg:$0x3] =	wrdreg s4  }
0xaa: {  	[dreg:$0x4] =	wrdreg $0xC0  }
0xab: {  	_ =	task [dreg:s6], $0x5FFFF  }
0xac: {  	[dreg:$0x1] =	wrdreg $0xFFFFFFFF  }
0xad: {  	[dreg:$0x0] =	wrdreg $0x60  }
0xae: {  	[dreg:$0x2] =	wrdreg s24  }
0xaf: {  	[dreg:$0x3] =	wrdreg $0xBD800  }
0xb0: {  	[dreg:$0x4] =	wrdreg $0x9  }
0xb1: {  	_ =	task.clear_ibuf [dreg:s6], $0x5FFFF;
	_ =	strace $0x9000004C  }
0xb2: {  	s29 =	simm.s32 $0x9;
	_ =	strace $0x8000004E  }
0xb3: {  	_ =	swait.ge [sflag:s29], $0x1  }
0xb4: {  	[sflag:s29] =	ssyncadd.s32 $0xFFFFFFFF  }
0xb5: {  	_ =	strace $0x9000004E  }
0xb6: {  	_ =	sfence  }
0xb7: {  	s30 =	sld [smem:$0x0];
	_ =	sdelay $0x2  }
0xb8: {  	s31 =	sshll.u32 s1, $0xD;
	s1 =	sshrl.u32 s1, $0x2  }
0xb9: {  	s3 =	sand.u32 $0x4000, s31;
	s1 =	sadd.s32 s1, s30  }
0xba: {  	s0 =	sor.u32 s3, s0;
	s1 =	sshll.u32 s1, $0x11  }
0xbb: {  	s0 =	sor.u32 s1, s0  }
0xbc: {  	s0 =	sadd.s32 $0x8F2B, s0  }
0xbd: {  	[sflag:s0] =	ssyncadd.remote.s32 $0x1  }
0xbe: {  	_ =	sfence.sel $0xFFFF  }
0xbf: {  	[dreg:$0x0] =	wrdreg $0xFFFFFFFF;
	(pc) =	sbr.abs _section_cstart, $3  }
0xc0: {  	[dreg:$0x1] =	wrdreg $0xFFFFFFFF  }
0xc1: {  	_ =	task.clear_ibuf [dreg:s6], $0x2FFFF;
	_ =	strace $0x9FFFFFFF  }
0xc2: {  	(tm) =	ssettm $0x7FFFFFFF  }
0xc3: {  	_ =	shalt  }
tec
execute0_lowered:
.L_overlay_start_1:
0x0: {  	(tag) =	ssettag $0x1  }
0x1: {  	s0 =	srdreg.scid  }
0x2: {  	s1 =	rddreg [dreg:$0x0];
	s12 =	stileid.u32  }
0x3: {  	s2 =	rddreg [dreg:$0x1];
	s16 =	simm.s32 $0x7;
	s17 =	simm.s32 $0x1  }
0x4: {  	s18 =	simm.s32 $0x4400;
	s19 =	simm.s32 $0x50;
	s28 =	simm.s32 $0x5  }
0x5: {  	s29 =	simm.s32 $0x3;
	s30 =	simm.s32 $0x6;
	s31 =	simm.s32 $0x0  }
0x6: {  	s0 =	sand.u32 $0x1, s0;
	s7 =	smul.u32 $0x13C00, s12;
	s5 =	sadd.s32 $0x45C00, s1  }
0x7: {  	s6 =	sadd.s32 $0x94C00, s1;
	s20 =	smul.u32 $0x4F000, s12;
	s25 =	sshll.u32 s12, $0x6  }
0x8: {  	s3 =	sshll.u32 s0, $0x4;
	s9 =	smul.u32 $0x13C000, s0;
	s0 =	ssub.s32 $0x2, s0  }
0x9: {  	s4 =	sor.u32 s12, s3;
	s3 =	simm.s32 $0x0;
	s11 =	sshrl.u32 s7, $0x3  }
0xa: {  	s21 =	sshrl.u32 s0, $0x1;
	s4 =	smul.u32 $0x4400, s4;
	[smem:$0x7FF] =	sst s3  }
0xb: {  	s7 =	sadd.s32 s7, s9;
	s11 =	sadd.s32 s11, s1;
	s9 =	sshrl.u32 s20, $0x2  }
0xc: {  	s0 =	ssub.s32 s0, s21;
	s20 =	simm.s32 $0x4580;
	s21 =	simm.s32 $0x4480  }
0xd: {  	_ =	strace $0x8000004D;
	s7 =	sshrl.u32 s7, $0x3;
	s23 =	sadd.s32 s9, s2  }
0xe: {  	s24 =	sadd.s32 $0x1E400, s11;
	s14 =	smax.u32 s0, $0x1;
	s8 =	sshrl.u32 s4, $0x3  }
0xf: {  	[dreg:$0x4] =	wrdreg s24;
	s15 =	sshrl.u32 s23, $0x3;
	s23 =	simm.s32 $0x4500  }
0x10: {  	s24 =	simm.s32 $0x9580;
	s10 =	sadd.s32 s8, s1;
	s1 =	sadd.s32 s7, s1  }
0x11: {  	s9 =	sadd.s32 s6, s8;
	s22 =	sadd.s32 $0xA5C00, s10;
	s10 =	sor.u32 $0x1C07, s25  }
0x12: {  	s8 =	sadd.s32 $0x10, s9;
	s26 =	sadd.s32 $0x20, s9;
	[dreg:$0x3] =	wrdreg s22  }
0x13: {  	s13 =	sadd.s32 $0xB6C00, s1;
	s25 =	simm.s32 $0x4;
	[dreg:$0x5] =	wrdreg s8  }
0x14: {  	[dreg:$0x6] =	wrdreg s26;
	s22 =	simm.s32 $0x6D80;
	s26 =	simm.s32 $0x2  }
.LBB2_1:
0x15: {  	s0 =	rddreg [dreg:$0x3]  }
0x16: {  	s11 =	rddreg [dreg:$0x4]  }
0x17: {  	[tilespmem:s3], [sflag:$0x1] =	stream.linear.gather [hbm4b:s0+s3], $0x4080, $0x38;
	[tilespmem:$0x1F980] =	vst v63  }
0x18: {  	[spmem:s15], [sflag:s10] =	dma.local [hbm:s11], $0x2780  }
0x19: {  	_ =	swait.ge [sflag:s16], $0x2780  }
0x1a: {  	[sflag:s16] =	ssyncset.done $0x0  }
0x1b: {  	[sflag:s16] =	ssyncadd.s32 $0xFFFFD880  }
0x1c: {  	_ =	swait.ge [sflag:s17], $0x4080  }
0x1d: {  	[sflag:s17] =	ssyncset.done $0x0  }
0x1e: {  	[sflag:s17] =	ssyncadd.s32 $0xFFFFBF80  }
0x1f: {  	[bflag:$0x0] =	sbarrier.arrive $0xFFFF  }
0x20: {  	[tilespmem:s18], [sflag:$0x7] =	stream.linear.gather [hbm4b:s9+s3], $0x80, $0x38;
	[tilespmem:$0x1F980] =	vst v63  }
0x21: {  	_ =	swait.ge [sflag:s16], $0x80  }
0x22: {  	[sflag:s16] =	ssyncset.done $0x0  }
0x23: {  	[sflag:s16] =	ssyncadd.s32 $0xFFFFFF80  }
0x24: {  	[tilespmem:s20], [sflag:$0x1] =	stream.indirect.gather [hbm4b:s5+s19], $0x80, s18, s19, $0xb8;
	[tilespmem:$0x1F980] =	vst v63  }
0x25: {  	s12 =	rddreg [dreg:$0x5]  }
0x26: {  	[tilespmem:s21], [sflag:$0x7] =	stream.linear.gather [hbm4b:s12+s3], $0x80, $0x38;
	[tilespmem:$0x1F980] =	vst v63  }
0x27: {  	_ =	swait.ge [sflag:s16], $0x80  }
0x28: {  	[sflag:s16] =	ssyncset.done $0x0  }
0x29: {  	[sflag:s16] =	ssyncadd.s32 $0xFFFFFF80  }
0x2a: {  	[tilespmem:s22], [sflag:$0x2] =	stream.indirect.gather [hbm4b:s5+s19], $0x80, s21, s19, $0xb8;
	[tilespmem:$0x1F980] =	vst v63  }
0x2b: {  	s1 =	rddreg [dreg:$0x6]  }
0x2c: {  	[tilespmem:s23], [sflag:$0x7] =	stream.linear.gather [hbm4b:s1+s3], $0x80, $0x38;
	[tilespmem:$0x1F980] =	vst v63  }
0x2d: {  	s7 =	simm.s32 $0x180;
	_ =	swait.ge [sflag:s16], $0x80  }
0x2e: {  	s1 =	sand.u32 $0xFC00, s7;
	[sflag:s16] =	ssyncset.done $0x0  }
0x2f: {  	s0 =	sand.u32 $0x380, s7;
	s1 =	sadd.s32 s4, s1;
	[sflag:s16] =	ssyncadd.s32 $0xFFFFFF80  }
0x30: {  	[tilespmem:s24], [sflag:$0x3] =	stream.indirect.gather [hbm4b:s5+s19], $0x80, s23, s19, $0xb8;
	[tilespmem:$0x1F980] =	vst v63  }
0x31: {  	s0 =	sor.u32 s0, s1;
	_ =	swait.ge [sflag:s17], $0x2800  }
0x32: {  	s0 =	sshrl.u32 s0, $0x3;
	[sflag:s17] =	ssyncset.done $0x0  }
0x33: {  	s0 =	sadd.s32 s6, s0;
	[sflag:s17] =	ssyncadd.s32 $0xFFFFD800  }
0x34: {  	[tilespmem:s18], [sflag:$0x4] =	stream.linear.gather [hbm4b:s0+s3], $0x80, $0x38;
	[tilespmem:$0x1F980] =	vst v63  }
0x35: {  	s8 =	simm.s32 $0x0  }
0x36: {  	[spmem:s2] =	stream.indirect.scatter.add.f32 [tilespmem:s20], [sflag:$0x7], $0x80, s8, s19, $0xb8;
	[tilespmem:$0x1F980] =	vst v63  }
0x37: {  	_ =	swait.ge [sflag:s16], $0x2800  }
0x38: {  	[sflag:s16] =	ssyncset.done $0x0  }
0x39: {  	[sflag:s16] =	ssyncadd.s32 $0xFFFFD800  }
0x3a: {  	s11 =	simm.s32 $0x200;
	_ =	swait.ge [sflag:s25], $0x80  }
0x3b: {  	s12 =	sand.u32 $0xFC00, s11;
	[sflag:s25] =	ssyncset.done $0x0  }
0x3c: {  	s1 =	sadd.s32 s4, s12;
	s0 =	sand.u32 $0x380, s11;
	[sflag:s25] =	ssyncadd.s32 $0xFFFFFF80  }
0x3d: {  	[tilespmem:s20], [sflag:$0x1] =	stream.indirect.gather [hbm4b:s5+s19], $0x80, s18, s19, $0xb8;
	[tilespmem:$0x1F980] =	vst v63  }
0x3e: {  	s0 =	sor.u32 s0, s1;
	_ =	swait.ge [sflag:s26], $0x2800  }
0x3f: {  	s0 =	sshrl.u32 s0, $0x3;
	[sflag:s26] =	ssyncset.done $0x0  }
0x40: {  	s0 =	sadd.s32 s6, s0;
	[sflag:s26] =	ssyncadd.s32 $0xFFFFD800  }
0x41: {  	[tilespmem:s21], [sflag:$0x5] =	stream.linear.gather [hbm4b:s0+s3], $0x80, $0x38;
	[tilespmem:$0x1F980] =	vst v63  }
0x42: {  	s7 =	simm.s32 $0x80  }
0x43: {  	[spmem:s2] =	stream.indirect.scatter.add.f32 [tilespmem:s22], [sflag:$0x7], $0x80, s7, s19, $0xb8;
	[tilespmem:$0x1F980] =	vst v63  }
0x44: {  	_ =	swait.ge [sflag:s16], $0x2800  }
0x45: {  	[sflag:s16] =	ssyncset.done $0x0  }
0x46: {  	[sflag:s16] =	ssyncadd.s32 $0xFFFFD800  }
0x47: {  	s8 =	simm.s32 $0x280;
	_ =	swait.ge [sflag:s28], $0x80  }
0x48: {  	s11 =	sand.u32 $0xFC00, s8;
	[sflag:s28] =	ssyncset.done $0x0  }
0x49: {  	s1 =	sadd.s32 s4, s11;
	s0 =	sand.u32 $0x380, s8;
	[sflag:s28] =	ssyncadd.s32 $0xFFFFFF80  }
0x4a: {  	[tilespmem:s22], [sflag:$0x2] =	stream.indirect.gather [hbm4b:s5+s19], $0x80, s21, s19, $0xb8;
	[tilespmem:$0x1F980] =	vst v63  }
0x4b: {  	s0 =	sor.u32 s0, s1;
	_ =	swait.ge [sflag:s29], $0x2800  }
0x4c: {  	s0 =	sshrl.u32 s0, $0x3;
	[sflag:s29] =	ssyncset.done $0x0  }
0x4d: {  	s0 =	sadd.s32 s6, s0;
	[sflag:s29] =	ssyncadd.s32 $0xFFFFD800  }
0x4e: {  	[tilespmem:s23], [sflag:$0x6] =	stream.linear.gather [hbm4b:s0+s3], $0x80, $0x38;
	[tilespmem:$0x1F980] =	vst v63  }
0x4f: {  	s0 =	simm.s32 $0x100  }
0x50: {  	[spmem:s2] =	stream.indirect.scatter.add.f32 [tilespmem:s24], [sflag:$0x7], $0x80, s0, s19, $0xb8;
	[tilespmem:$0x1F980] =	vst v63  }
0x51: {  	s12 =	simm.s32 $0x300;
	_ =	swait.ge [sflag:s16], $0x2800  }
0x52: {  	s7 =	sand.u32 $0xFC00, s12;
	[sflag:s16] =	ssyncset.done $0x0  }
0x53: {  	s8 =	sand.u32 $0x380, s12;
	s7 =	sadd.s32 s4, s7;
	[sflag:s16] =	ssyncadd.s32 $0xFFFFD800  }
0x54: {  	s1 =	simm.s32 $0x400;
	s8 =	sor.u32 s8, s7;
	_ =	swait.ge [sflag:s30], $0x80  }
0x55: {  	s7 =	simm.s32 $0x580;
	s11 =	sshrl.u32 s8, $0x3;
	[sflag:s30] =	ssyncset.done $0x0  }
.LBB2_2:
0x56: {  	[sflag:s30] =	ssyncadd.s32 $0xFFFFFF80  }
0x57: {  	s0 =	sadd.s32 $0x180, s0;
	s8 =	smov.u32 s7;
	s12 =	sadd.s32 $0x180, s7  }
0x58: {  	[tilespmem:s24], [sflag:$0x3] =	stream.indirect.gather [hbm4b:s5+s19], $0x80, s23, s19, $0xb8;
	[tilespmem:$0x1F980] =	vst v63  }
0x59: {  	p0 =	sne.s32 s7, $0x4000;
	_ =	swait.ge [sflag:s17], $0x2800  }
0x5a: {  	s7 =	sadd.s32 s6, s11;
	[sflag:s17] =	ssyncset.done $0x0  }
0x5b: {  	[sflag:s17] =	ssyncadd.s32 $0xFFFFD800  }
0x5c: {  	[tilespmem:s18], [sflag:$0x4] =	stream.linear.gather [hbm4b:s7+s3], $0x80, $0x38;
	[tilespmem:$0x1F980] =	vst v63  }
0x5d: {  	s7 =	sadd.s32 $0xFFFFFF00, s0  }
0x5e: {  	[spmem:s2] =	stream.indirect.scatter.add.f32 [tilespmem:s20], [sflag:$0x7], $0x80, s7, s19, $0xb8;
	[tilespmem:$0x1F980] =	vst v63  }
0x5f: {  	_ =	swait.ge [sflag:s16], $0x2800  }
0x60: {  	[sflag:s16] =	ssyncset.done $0x0  }
0x61: {  	[sflag:s16] =	ssyncadd.s32 $0xFFFFD800  }
0x62: {  	s7 =	sadd.s32 $0xFFFFFF80, s1;
	_ =	swait.ge [sflag:s25], $0x80  }
0x63: {  	s11 =	sand.u32 $0xFC00, s7;
	s7 =	sand.u32 $0x380, s7;
	[sflag:s25] =	ssyncset.done $0x0  }
0x64: {  	s11 =	sadd.s32 s4, s11;
	[sflag:s25] =	ssyncadd.s32 $0xFFFFFF80  }
0x65: {  	[tilespmem:s20], [sflag:$0x1] =	stream.indirect.gather [hbm4b:s5+s19], $0x80, s18, s19, $0xb8;
	[tilespmem:$0x1F980] =	vst v63  }
0x66: {  	s7 =	sor.u32 s7, s11;
	_ =	swait.ge [sflag:s26], $0x2800  }
0x67: {  	s7 =	sshrl.u32 s7, $0x3;
	[sflag:s26] =	ssyncset.done $0x0  }
0x68: {  	s11 =	sadd.s32 $0xFFFFFF80, s0;
	s7 =	sadd.s32 s6, s7;
	[sflag:s26] =	ssyncadd.s32 $0xFFFFD800  }
0x69: {  	[tilespmem:s21], [sflag:$0x5] =	stream.linear.gather [hbm4b:s7+s3], $0x80, $0x38;
	[tilespmem:$0x1F980] =	vst v63  }
0x6a: {  	_ = 	snop  }
0x6b: {  	[spmem:s2] =	stream.indirect.scatter.add.f32 [tilespmem:s22], [sflag:$0x7], $0x80, s11, s19, $0xb8;
	[tilespmem:$0x1F980] =	vst v63  }
0x6c: {  	_ =	swait.ge [sflag:s16], $0x2800  }
0x6d: {  	[sflag:s16] =	ssyncset.done $0x0  }
0x6e: {  	[sflag:s16] =	ssyncadd.s32 $0xFFFFD800  }
0x6f: {  	_ =	swait.ge [sflag:s28], $0x80  }
0x70: {  	s7 =	sand.u32 $0xFC00, s1;
	[sflag:s28] =	ssyncset.done $0x0  }
0x71: {  	s1 =	sand.u32 $0x380, s1;
	s7 =	sadd.s32 s4, s7;
	[sflag:s28] =	ssyncadd.s32 $0xFFFFFF80  }
0x72: {  	[tilespmem:s22], [sflag:$0x2] =	stream.indirect.gather [hbm4b:s5+s19], $0x80, s21, s19, $0xb8;
	[tilespmem:$0x1F980] =	vst v63  }
0x73: {  	s7 =	sor.u32 s1, s7;
	s1 =	smov.u32 s8;
	_ =	swait.ge [sflag:s29], $0x2800  }
0x74: {  	s7 =	sshrl.u32 s7, $0x3;
	[sflag:s29] =	ssyncset.done $0x0  }
0x75: {  	s7 =	sadd.s32 s6, s7;
	[sflag:s29] =	ssyncadd.s32 $0xFFFFD800  }
0x76: {  	[tilespmem:s23], [sflag:$0x6] =	stream.linear.gather [hbm4b:s7+s3], $0x80, $0x38;
	[tilespmem:$0x1F980] =	vst v63  }
0x77: {  	_ = 	snop  }
0x78: {  	[spmem:s2] =	stream.indirect.scatter.add.f32 [tilespmem:s24], [sflag:$0x7], $0x80, s0, s19, $0xb8;
	[tilespmem:$0x1F980] =	vst v63  }
.Ltmp0:
0x79: {  	s7 =	sadd.s32 $0xFFFFFF00, s1;
	_ =	swait.ge [sflag:s16], $0x2800;
	(pc) =	sbr.rel @p0 .LBB2_2-.Ltmp0, $4  }
0x7a: {  	s8 =	sand.u32 $0xFC00, s7;
	s7 =	sand.u32 $0x380, s7;
	[sflag:s16] =	ssyncset.done $0x0  }
0x7b: {  	s8 =	sadd.s32 s4, s8;
	[sflag:s16] =	ssyncadd.s32 $0xFFFFD800  }
0x7c: {  	s7 =	sor.u32 s7, s8;
	_ =	swait.ge [sflag:s30], $0x80  }
0x7d: {  	s11 =	sshrl.u32 s7, $0x3;
	s7 =	smov.u32 s12;
	[sflag:s30] =	ssyncset.done $0x0  }
0x7e: {  	[sflag:s30] =	ssyncadd.s32 $0xFFFFFF80  }
0x7f: {  	[tilespmem:s24], [sflag:$0x3] =	stream.indirect.gather [hbm4b:s5+s19], $0x80, s23, s19, $0xb8;
	[tilespmem:$0x1F980] =	vst v63  }
0x80: {  	_ =	swait.ge [sflag:s17], $0x2800  }
0x81: {  	[sflag:s17] =	ssyncset.done $0x0  }
0x82: {  	s0 =	sadd.s32 $0x180, s0;
	s7 =	sadd.s32 s6, s11;
	[sflag:s17] =	ssyncadd.s32 $0xFFFFD800  }
0x83: {  	[tilespmem:s18], [sflag:$0x4] =	stream.linear.gather [hbm4b:s7+s3], $0x80, $0x38;
	[tilespmem:$0x1F980] =	vst v63  }
0x84: {  	s11 =	sadd.s32 $0xFFFFFF00, s0  }
0x85: {  	[spmem:s2] =	stream.indirect.scatter.add.f32 [tilespmem:s20], [sflag:$0x7], $0x80, s11, s19, $0xb8;
	[tilespmem:$0x1F980] =	vst v63  }
0x86: {  	_ =	swait.ge [sflag:s16], $0x2800  }
0x87: {  	[sflag:s16] =	ssyncset.done $0x0  }
0x88: {  	[sflag:s16] =	ssyncadd.s32 $0xFFFFD800  }
0x89: {  	s12 =	sadd.s32 $0xFFFFFF80, s1;
	_ =	swait.ge [sflag:s25], $0x80  }
0x8a: {  	s8 =	sand.u32 $0xFC00, s12;
	[sflag:s25] =	ssyncset.done $0x0  }
0x8b: {  	s8 =	sadd.s32 s4, s8;
	s7 =	sand.u32 $0x380, s12;
	[sflag:s25] =	ssyncadd.s32 $0xFFFFFF80  }
0x8c: {  	[tilespmem:s20], [sflag:$0x1] =	stream.indirect.gather [hbm4b:s5+s19], $0x80, s18, s19, $0xb8;
	[tilespmem:$0x1F980] =	vst v63  }
0x8d: {  	s7 =	sor.u32 s7, s8;
	_ =	swait.ge [sflag:s26], $0x2800  }
0x8e: {  	s7 =	sshrl.u32 s7, $0x3;
	[sflag:s26] =	ssyncset.done $0x0  }
0x8f: {  	s7 =	sadd.s32 s6, s7;
	[sflag:s26] =	ssyncadd.s32 $0xFFFFD800  }
0x90: {  	[tilespmem:s21], [sflag:$0x5] =	stream.linear.gather [hbm4b:s7+s3], $0x80, $0x38;
	[tilespmem:$0x1F980] =	vst v63  }
0x91: {  	s8 =	sadd.s32 $0xFFFFFF80, s0  }
0x92: {  	[spmem:s2] =	stream.indirect.scatter.add.f32 [tilespmem:s22], [sflag:$0x7], $0x80, s8, s19, $0xb8;
	[tilespmem:$0x1F980] =	vst v63  }
0x93: {  	_ =	swait.ge [sflag:s16], $0x2800  }
0x94: {  	[sflag:s16] =	ssyncset.done $0x0  }
0x95: {  	[sflag:s16] =	ssyncadd.s32 $0xFFFFD800  }
0x96: {  	_ =	swait.ge [sflag:s28], $0x80  }
0x97: {  	s11 =	sand.u32 $0xFC00, s1;
	[sflag:s28] =	ssyncset.done $0x0  }
0x98: {  	s12 =	sand.u32 $0x380, s1;
	s7 =	sadd.s32 s4, s11;
	[sflag:s28] =	ssyncadd.s32 $0xFFFFFF80  }
0x99: {  	[tilespmem:s22], [sflag:$0x2] =	stream.indirect.gather [hbm4b:s5+s19], $0x80, s21, s19, $0xb8;
	[tilespmem:$0x1F980] =	vst v63  }
0x9a: {  	s1 =	sor.u32 s12, s7;
	_ =	swait.ge [sflag:s29], $0x2800  }
0x9b: {  	s1 =	sshrl.u32 s1, $0x3;
	[sflag:s29] =	ssyncset.done $0x0  }
0x9c: {  	s1 =	sadd.s32 s6, s1;
	[sflag:s29] =	ssyncadd.s32 $0xFFFFD800  }
0x9d: {  	[tilespmem:s23], [sflag:$0x6] =	stream.linear.gather [hbm4b:s1+s3], $0x80, $0x38;
	[tilespmem:$0x1F980] =	vst v63  }
0x9e: {  	_ = 	snop  }
0x9f: {  	[spmem:s2] =	stream.indirect.scatter.add.f32 [tilespmem:s24], [sflag:$0x7], $0x80, s0, s19, $0xb8;
	[tilespmem:$0x1F980] =	vst v63  }
0xa0: {  	_ =	swait.ge [sflag:s16], $0x2800  }
0xa1: {  	[sflag:s16] =	ssyncset.done $0x0  }
0xa2: {  	[sflag:s16] =	ssyncadd.s32 $0xFFFFD800  }
0xa3: {  	_ =	swait.ge [sflag:s30], $0x80  }
0xa4: {  	[sflag:s30] =	ssyncset.done $0x0  }
0xa5: {  	[sflag:s30] =	ssyncadd.s32 $0xFFFFFF80  }
0xa6: {  	[tilespmem:s24], [sflag:$0x3] =	stream.indirect.gather [hbm4b:s5+s19], $0x80, s23, s19, $0xb8;
	[tilespmem:$0x1F980] =	vst v63  }
0xa7: {  	_ =	swait.ge [sflag:s17], $0x2800  }
0xa8: {  	[sflag:s17] =	ssyncset.done $0x0  }
0xa9: {  	s8 =	simm.s32 $0x3F00;
	[sflag:s17] =	ssyncadd.s32 $0xFFFFD800  }
0xaa: {  	[spmem:s2] =	stream.indirect.scatter.add.f32 [tilespmem:s20], [sflag:$0x7], $0x80, s8, s19, $0xb8;
	[tilespmem:$0x1F980] =	vst v63  }
0xab: {  	_ =	swait.ge [sflag:s16], $0x2800  }
0xac: {  	[sflag:s16] =	ssyncset.done $0x0  }
0xad: {  	[sflag:s16] =	ssyncadd.s32 $0xFFFFD800  }
0xae: {  	_ =	swait.ge [sflag:s26], $0x2800  }
0xaf: {  	[sflag:s26] =	ssyncset.done $0x0  }
0xb0: {  	s11 =	simm.s32 $0x3F80;
	[sflag:s26] =	ssyncadd.s32 $0xFFFFD800  }
0xb1: {  	[spmem:s2] =	stream.indirect.scatter.add.f32 [tilespmem:s22], [sflag:$0x7], $0x80, s11, s19, $0xb8;
	[tilespmem:$0x1F980] =	vst v63  }
0xb2: {  	_ =	swait.ge [sflag:s16], $0x2800  }
0xb3: {  	[sflag:s16] =	ssyncset.done $0x0  }
0xb4: {  	[sflag:s16] =	ssyncadd.s32 $0xFFFFD800  }
0xb5: {  	_ =	swait.ge [sflag:s29], $0x2800  }
0xb6: {  	[sflag:s29] =	ssyncset.done $0x0  }
0xb7: {  	s12 =	simm.s32 $0x4000;
	[sflag:s29] =	ssyncadd.s32 $0xFFFFD800  }
0xb8: {  	[spmem:s2] =	stream.indirect.scatter.add.f32 [tilespmem:s24], [sflag:$0x7], $0x80, s12, s19, $0xb8;
	[tilespmem:$0x1F980] =	vst v63  }
0xb9: {  	_ =	swait.ge [sflag:s16], $0x2800  }
0xba: {  	s31 =	sadd.s32 $0x1, s31;
	[sflag:s16] =	ssyncset.done $0x0  }
0xbb: {  	p0 =	sne.s32 s31, s14;
	[sflag:s16] =	ssyncadd.s32 $0xFFFFD800  }
.Ltmp1:
0xbc: {  	[bflag:$0x0] =	sbarrier.arrive $0xFFFF;
	(pc) =	sbr.rel @p0 .LBB2_1-.Ltmp1, $4  }
0xbd: {  	[hbm:s13], [sflag:s10] =	dma.local [spmem:s15], $0x2780  }
0xbe: {  	_ =	swait.ge [sflag:s16], $0x2780  }
0xbf: {  	[sflag:s16] =	ssyncset.done $0x0  }
0xc0: {  	[sflag:s16] =	ssyncadd.s32 $0xFFFFD880  }
0xc1: {  	_ =	sfence.sel $0x180000  }
0xc2: {  	[bflag:$0x0] =	sbarrier.arrive $0xFFFF  }
0xc3: {  	_ =	strace $0x9000004D  }
0xc4: {  	s0 =	stileid.u32;
	[bflag:$0x2] =	sbarrier.arrive $0xFFFF  }
0xc5: {  	p0 =	sne.s32 s0, $0x0;
	s0 =	rddreg [dreg:$0x2]  }
0xc6: {  	s0 =	sadd.s32 @!p0 $0x100000, s0  }
0xc7: {  	[sflag:s0] =	ssyncadd.tile.s32 @!p0 $0x1;
	_ =	shalt  }
.Lfunc_end2:
_tile_overlayer_lowered:
.L_overlay_start_2:
0xc8: {  	(tag) =	ssettag $0x2  }
0xc9: {  	s0 =	rddreg [dreg:$0x0];
	s2 =	stileid.u32  }
0xca: {  	s1 =	rddreg [dreg:$0x1];
	p0 =	sne.s32 s2, $0x0  }
0xcb: {  	s3 =	rddreg [dreg:$0x2];
	[bflag:$0x3] =	sbarrier.arrive $0xFFFF;
	s2 =	simm.s32 @!p0 $0x1C07  }
0xcc: {  	[timem:s3], [sflag:s2] =	dma.local @!p0 [hbm:s0], s1  }
0xcd: {  	s0 =	simm.s32 @!p0 $0x7  }
0xce: {  	_ =	swait.ge @!p0 [sflag:s0], s1  }
0xcf: {  	s1 =	ssub.s32 @!p0 $0x0, s1;
	[sflag:s0] =	ssyncset.done @!p0 $0x0  }
0xd0: {  	[sflag:s0] =	ssyncadd.s32 @!p0 s1  }
0xd1: {  	[bflag:$0x3] =	sbarrier.arrive $0xFFFF  }
0xd2: {  	_ =	shalt  }

// kernel: kernel.8.cloned.1.call-start
scs
__scs_entry_jumppad:
0x0: {  	(pc) =	sbr.rel $0x88, $3  }
0x1: {  	(tag) =	ssettag $0x0;
	lr =	simm.s32 $0x1  }
0x2: {  	[smem:$0x3F96] =	sst lr;
	_ =	strace $0xD0000000  }
0x3: {  	_ = 	snop  }
0x4: {  	_ = 	snop  }
0x5: {  	_ = 	snop  }
0x6: {  	_ = 	snop  }
0x7: {  	_ = 	snop  }
__scs_overlays_trampoline_lowered:
0x8: {  	[smem:$0x3FA5] =	sst s0  }
0x9: {  	[smem:$0x3FA6] =	sst s1  }
0xa: {  	[smem:$0x3FA7] =	sst s2  }
0xb: {  	[smem:$0x3FA8] =	sst s3  }
0xc: {  	[smem:$0x3FA9] =	sst s4  }
0xd: {  	[smem:$0x3FAA] =	sst s5  }
0xe: {  	[smem:$0x3FAB] =	sst s6  }
0xf: {  	[smem:$0x3FAC] =	sst s7  }
0x10: {  	[smem:$0x3FAD] =	sst s8  }
0x11: {  	[smem:$0x3FAE] =	sst s9;
	s0 =	simm.s32 @!p0 $0x0  }
0x12: {  	s1 =	sld [smem:$0x3F94];
	s0 =	simm.s32 @p0 $0x1  }
0x13: {  	[smem:$0x3FAF] =	sst s0;
	s0 =	simm.s32 @!p1 $0x0  }
0x14: {  	s2 =	sld [smem:$0x3F93];
	s0 =	simm.s32 @p1 $0x1  }
0x15: {  	[smem:$0x3FB0] =	sst s0;
	s0 =	simm.s32 @!p2 $0x0  }
0x16: {  	s3 =	sld [smem:$0x3FDB];
	s0 =	simm.s32 @p2 $0x1  }
0x17: {  	s4 =	simm.s32 $0x1BF5;
	[smem:$0x3FB2] =	sst s0  }
0x18: {  	s0 =	sld [smem:$0x3F95];
	_ =	swait.ge [sflag:s4], $0x0  }
0x19: {  	s7 =	sld [smem:$0x3F96]  }
0x1a: {  	s8 =	sadd.s32 $0xFFFFE003, lr  }
0x1b: {  	s9 =	sadd.s32 $0xFFFFFEF7, lr;
	s5 =	simm.s32 $0xFFFFFFFF;
	p2 =	slt.u32 s8, $0xFFFFF086  }
0x1c: {  	p1 =	slt.u32 s9, $0xF7A;
	s5 =	simm.s32 @!p2 $0x0  }
0x1d: {  	s5 =	simm.s32 @p1 $0x1;
	p0 =	seq.s32 s7, s2  }
0x1e: {  	s7 =	smul.u32 @!p0 $0xF7A, s2;
	p2 =	seq.s32 @!p0 s5, $0x0  }
0x1f: {  	s9 =	smul.u32 $0xF7A, s1;
	s8 =	simm.s32 @!p0 $0x1BF5;
	p2 =	por !p2, p0  }
0x20: {  	[sflag:s8] =	ssyncset.s32 @!p0 $0xFFFFF086;
	s6 =	sadd.s32 @!p0 s3, s7;
	s7 =	simm.s32 @!p0 $0x108  }
0x21: {  	s3 =	sadd.s32 s3, s9;
	s6 =	sadd.s32 @!p0 $0x88, s6;
	s7 =	simm.s32 @p2 $0x1082  }
0x22: {  	[simem:s7], [sflag:s8] =	dma.local @!p0 [hbm:s6], $0xF7A  }
0x23: {  	s9 =	sor.u32 $0xD0000000, s2;
	s6 =	simm.s32 $0x108;
	_ =	swait.ge @!p0 [sflag:s8], $0x0  }
0x24: {  	s3 =	sadd.s32 $0x88, s3;
	s6 =	simm.s32 @!p1 $0x1082;
	[sflag:s4] =	ssyncset.s32 $0xFFFFF086  }
0x25: {  	[simem:s6], [sflag:s4] =	dma.local [hbm:s3], $0xF7A  }
0x26: {  	[smem:$0x3F96] =	sst s1;
	(tag) =	ssettag s2;
	_ =	strace s9  }
0x27: {  	s1 =	sld [smem:$0x3FA6]  }
0x28: {  	s2 =	sld [smem:$0x3FA7]  }
0x29: {  	s4 =	sld [smem:$0x3FA9]  }
0x2a: {  	p0 =	seq.s32 s5, $0x0;
	s5 =	sld [smem:$0x3FAA]  }
0x2b: {  	s6 =	sld [smem:$0x3FAB]  }
0x2c: {  	s7 =	sld [smem:$0x3FAC]  }
0x2d: {  	s3 =	simm.s32 $0x108;
	s8 =	sld [smem:$0x3FAD]  }
0x2e: {  	s3 =	simm.s32 @!p0 $0x1082;
	s9 =	sld [smem:$0x3FAE]  }
0x2f: {  	lr =	sadd.s32 s0, s3;
	s0 =	sld [smem:$0x3FA5]  }
0x30: {  	s3 =	sld [smem:$0x3FA8]  }
0x31: {  	[smem:$0x3FB1] =	sst s10  }
0x32: {  	s10 =	sld [smem:$0x3FAF];
	_ =	sdelay $0x3  }
0x33: {  	p0 =	seq.s32 s10, $0x1;
	s10 =	sld [smem:$0x3FB1];
	_ =	sdelay $0x3  }
0x34: {  	[smem:$0x3FB1] =	sst s10  }
0x35: {  	s10 =	sld [smem:$0x3FB0];
	_ =	sdelay $0x3  }
0x36: {  	p1 =	seq.s32 s10, $0x1;
	s10 =	sld [smem:$0x3FB1];
	_ =	sdelay $0x3  }
0x37: {  	[smem:$0x3FB1] =	sst s10  }
0x38: {  	s10 =	sld [smem:$0x3FB2]  }
0x39: {  	_ = 	snop;
	(pc) =	sbr.ind lr, $3  }
0x3a: {  	_ = 	snop  }
0x3b: {  	_ = 	snop  }
0x3c: {  	p2 =	seq.s32 s10, $0x1;
	s10 =	sld [smem:$0x3FB1]  }
0x3d: {  	_ =	shalt  }
0x3e: {  	_ =	shalt  }
0x3f: {  	_ =	shalt  }
0x40: {  	_ =	shalt  }
0x41: {  	_ =	shalt  }
0x42: {  	_ =	shalt  }
0x43: {  	_ =	shalt  }
0x44: {  	_ =	shalt  }
0x45: {  	_ =	shalt  }
0x46: {  	_ =	shalt  }
0x47: {  	_ =	shalt  }
0x48: {  	_ =	shalt  }
0x49: {  	_ =	shalt  }
0x4a: {  	_ =	shalt  }
0x4b: {  	_ =	shalt  }
0x4c: {  	_ =	shalt  }
0x4d: {  	_ =	shalt  }
0x4e: {  	_ =	shalt  }
0x4f: {  	_ =	shalt  }
0x50: {  	_ =	shalt  }
0x51: {  	_ =	shalt  }
0x52: {  	_ =	shalt  }
0x53: {  	_ =	shalt  }
0x54: {  	_ =	shalt  }
0x55: {  	_ =	shalt  }
0x56: {  	_ =	shalt  }
0x57: {  	_ =	shalt  }
0x58: {  	_ =	shalt  }
0x59: {  	_ =	shalt  }
0x5a: {  	_ =	shalt  }
0x5b: {  	_ =	shalt  }
0x5c: {  	_ =	shalt  }
0x5d: {  	_ =	shalt  }
0x5e: {  	_ =	shalt  }
0x5f: {  	_ =	shalt  }
0x60: {  	_ =	shalt  }
0x61: {  	_ =	shalt  }
0x62: {  	_ =	shalt  }
0x63: {  	_ =	shalt  }
0x64: {  	_ =	shalt  }
0x65: {  	_ =	shalt  }
0x66: {  	_ =	shalt  }
0x67: {  	_ =	shalt  }
0x68: {  	_ =	shalt  }
0x69: {  	_ =	shalt  }
0x6a: {  	_ =	shalt  }
0x6b: {  	_ =	shalt  }
0x6c: {  	_ =	shalt  }
0x6d: {  	_ =	shalt  }
0x6e: {  	_ =	shalt  }
0x6f: {  	_ =	shalt  }
0x70: {  	_ =	shalt  }
0x71: {  	_ =	shalt  }
0x72: {  	_ =	shalt  }
0x73: {  	_ =	shalt  }
0x74: {  	_ =	shalt  }
0x75: {  	_ =	shalt  }
0x76: {  	_ =	shalt  }
0x77: {  	_ =	shalt  }
0x78: {  	_ =	shalt  }
0x79: {  	_ =	shalt  }
0x7a: {  	_ =	shalt  }
0x7b: {  	_ =	shalt  }
0x7c: {  	_ =	shalt  }
0x7d: {  	_ =	shalt  }
0x7e: {  	_ =	shalt  }
0x7f: {  	_ =	shalt  }
0x80: {  	_ =	shalt  }
0x81: {  	_ =	shalt  }
0x82: {  	_ =	shalt  }
0x83: {  	_ =	shalt  }
0x84: {  	_ =	shalt  }
0x85: {  	_ =	shalt  }
0x86: {  	_ =	shalt  }
0x87: {  	_ =	shalt  }
.Lfunc_end0:
.L_simem_size_0:
called_computation_lowered:
.L_overlay_start_0:
0x88: {  	s2 =	sld [smem:$0x3FD9]  }
0x89: {  	s3 =	sld [smem:$0x3FFE];
	_ =	sdelay $0x1  }
0x8a: {  	s1 =	srdreg.scid  }
0x8b: {  	s0 =	sand.u32 $0x1, s1  }
0x8c: {  	s17 =	sshll.u32 s0, $0xA;
	s2 =	sadd.s32 s3, s2  }
0x8d: {  	s2 =	sadd.s32 s2, s17  }
0x8e: {  	[smem:$0x3FBD] =	sst s2  }
0x8f: {  	_ = 	snop  }
0x90: {  	s2 =	sld [smem:$0x3FC9]  }
0x91: {  	s18 =	sld [smem:$0x3FD0];
	(tm) =	ssettm $0x1  }
0x92: {  	s4 =	sld [smem:$0x3FFB];
	_ =	sdelay $0x3  }
0x93: {  	_ =	strace s4  }
0x94: {  	s4 =	sld [smem:$0x3FFC];
	_ =	sdelay $0x3  }
0x95: {  	_ =	strace s4  }
0x96: {  	s4 =	sld [smem:$0x3FFD];
	_ =	sdelay $0x3  }
0x97: {  	_ =	strace s4  }
0x98: {  	_ =	strace $0x8FFFFFFF  }
0x99: {  	s19 =	sld [smem:$0x3FDB];
	_ =	sdelay $0x1  }
0x9a: {  	s5 =	simm.s32 $_scs_section_size  }
0x9b: {  	s6 =	simm.s32 $_size__tile_overlayer_lowered;
	s7 =	simm.s32 $_tile_overlayer_lowered  }
0x9c: {  	s22 =	simm.s32 $0x1BFF;
	s21 =	sshll.u32 s7, $0x1;
	s4 =	sadd.s32 s5, s19  }
0x9d: {  	s8 =	simm.s32 $0x0;
	s20 =	sshll.u32 s6, $0x1;
	s6 =	sadd.s32 s21, s4  }
0x9e: {  	[timem:s8], [sflag:s22] =	dma.local [hbm:s6], s20  }
0x9f: {  	_ =	swait.ge [sflag:s22], s20  }
0xa0: {  	s5 =	ssub.s32 $0x0, s20;
	[sflag:s22] =	ssyncset.done $0x0  }
0xa1: {  	[sflag:s22] =	ssyncadd.s32 s5;
	_ =	sdelay $0x1  }
0xa2: {  	s23 =	simm.s32 $0x1B8B  }
0xa3: {  	_ =	swait.ge [sflag:s23], $0x1  }
0xa4: {  	[sflag:s23] =	ssyncset.done $0x0  }
0xa5: {  	s25 =	simm.s32 $0x1B8E;
	s24 =	sld [smem:$0x3FFE];
	[sflag:s23] =	ssyncadd.s32 $0xFFFFFFFF  }
0xa6: {  	s26 =	simm.s32 $execute0_lowered;
	[smem:$0x3FD2] =	sst s25  }
0xa7: {  	s6 =	sshll.u32 s26, $0x1;
	_ =	strace $0x80000046;
	[dreg:$0x1] =	wrdreg $0xFFFFFFFF  }
0xa8: {  	s28 =	simm.s32 $_size_execute0_lowered;
	s4 =	sadd.s32 s4, s6;
	[dreg:$0x0] =	wrdreg $0x0  }
0xa9: {  	s6 =	sshll.u32 s28, $0x1;
	[dreg:$0x2] =	wrdreg s4  }
0xaa: {  	[dreg:$0x3] =	wrdreg s6  }
0xab: {  	[dreg:$0x4] =	wrdreg $0xC0  }
0xac: {  	_ =	task [dreg:s8], $0x5FFFF  }
0xad: {  	[dreg:$0x1] =	wrdreg $0xFFFFFFFF  }
0xae: {  	[dreg:$0x0] =	wrdreg $0x60  }
0xaf: {  	[dreg:$0x2] =	wrdreg s2  }
0xb0: {  	[dreg:$0x3] =	wrdreg s24  }
0xb1: {  	[dreg:$0x4] =	wrdreg s18  }
0xb2: {  	[dreg:$0x5] =	wrdreg $0x99000  }
0xb3: {  	[dreg:$0x6] =	wrdreg $0x9  }
0xb4: {  	_ =	task.clear_ibuf [dreg:s8], $0x7FFFF;
	_ =	strace $0x90000046  }
0xb5: {  	s29 =	simm.s32 $0x9;
	_ =	strace $0x80000048  }
0xb6: {  	_ =	swait.ge [sflag:s29], $0x1  }
0xb7: {  	[sflag:s29] =	ssyncadd.s32 $0xFFFFFFFF  }
0xb8: {  	_ =	strace $0x90000048  }
0xb9: {  	_ =	sfence  }
0xba: {  	s30 =	sld [smem:$0x0];
	_ =	sdelay $0x2  }
0xbb: {  	s31 =	sshll.u32 s1, $0xD;
	s1 =	sshrl.u32 s1, $0x2  }
0xbc: {  	s3 =	sand.u32 $0x4000, s31;
	s1 =	sadd.s32 s1, s30  }
0xbd: {  	s0 =	sor.u32 s3, s0;
	s1 =	sshll.u32 s1, $0x11  }
0xbe: {  	s0 =	sor.u32 s1, s0  }
0xbf: {  	s0 =	sadd.s32 $0x8F2B, s0  }
0xc0: {  	[sflag:s0] =	ssyncadd.remote.s32 $0x1  }
0xc1: {  	_ =	sfence.sel $0xFFFF  }
0xc2: {  	[dreg:$0x0] =	wrdreg $0xFFFFFFFF;
	(pc) =	sbr.abs _section_cstart, $3  }
0xc3: {  	[dreg:$0x1] =	wrdreg $0xFFFFFFFF  }
0xc4: {  	_ =	task.clear_ibuf [dreg:s8], $0x2FFFF;
	_ =	strace $0x9FFFFFFF  }
0xc5: {  	(tm) =	ssettm $0x7FFFFFFF  }
tec
execute0_lowered:
.L_overlay_start_1:
0x0: {  	(tag) =	ssettag $0x1  }
0x1: {  	s1 =	rddreg [dreg:$0x0]  }
0x2: {  	s0 =	srdreg.scid;
	s8 =	rddreg [dreg:$0x1]  }
0x3: {  	s22 =	stileid.u32;
	s13 =	rddreg [dreg:$0x2]  }
0x4: {  	s3 =	rddreg [dreg:$0x3];
	s23 =	simm.s32 $0x0;
	s19 =	simm.s32 $0x60  }
0x5: {  	s20 =	simm.s32 $0x3900;
	s21 =	simm.s32 $0x3880;
	s28 =	simm.s32 $0x0  }
0x6: {  	s7 =	sand.u32 $0x1, s0;
	s10 =	smul.u32 $0x13C00, s22;
	[smem:$0x7FF] =	sst s23  }
0x7: {  	s6 =	sadd.s32 $0x2400, s8;
	s16 =	smul.u32 $0x4F000, s22;
	s29 =	sshll.u32 s22, $0x7  }
0x8: {  	s30 =	sshll.u32 s22, $0x6;
	s23 =	simm.s32 $0x1D500;
	s2 =	sshll.u32 s7, $0x4  }
0x9: {  	s12 =	smul.u32 $0x13C000, s7;
	_ =	strace $0x80000047;
	s7 =	ssub.s32 $0x2, s7  }
0xa: {  	s31 =	sand.u32 $0x380, s29;
	s9 =	sor.u32 s22, s2;
	s15 =	sshrl.u32 s10, $0x3  }
0xb: {  	s24 =	sshrl.u32 s7, $0x1;
	s25 =	sshrl.u32 s16, $0x2;
	s22 =	simm.s32 $0x6900  }
0xc: {  	s4 =	smul.u32 $0x3800, s9;
	s10 =	sadd.s32 s10, s12;
	s15 =	sadd.s32 s15, s8  }
0xd: {  	s18 =	ssub.s32 s7, s24;
	s9 =	sshrl.u32 s9, $0x3;
	s16 =	sadd.s32 s25, s3  }
0xe: {  	s24 =	simm.s32 $0x2;
	s10 =	sshrl.u32 s10, $0x3;
	s26 =	smul.u32 $0x13C00, s9  }
0xf: {  	s9 =	sor.u32 $0x1C05, s30;
	s11 =	sshrl.u32 s4, $0x3;
	s17 =	sadd.s32 s10, s8  }
0x10: {  	s14 =	sadd.s32 s11, s8;
	s8 =	sadd.s32 $0x1E400, s15;
	s10 =	sadd.s32 s6, s11  }
0x11: {  	s12 =	sadd.s32 $0x45C00, s17;
	s15 =	sshrl.u32 s16, $0x3;
	s16 =	simm.s32 $0x5  }
0x12: {  	s17 =	simm.s32 $0x1;
	s7 =	sadd.s32 $0x10400, s14;
	s14 =	sor.u32 s31, s26  }
0x13: {  	s11 =	sadd.s32 $0x10, s10;
	s26 =	simm.s32 $0x400;
	s14 =	sshrl.u32 s14, $0x3  }
0x14: {  	v0 =	vimm.f32 $0.0e+00;
	v1 =	vimm.f32 $1.000000000e+00;
	s13 =	sadd.s32 s13, s14;
	s14 =	smax.u32 s18, $0x1;
	s18 =	simm.s32 $0x3800  }
.LBB2_1:
0x15: {  	s0 =	simm.s32 $0x0  }
0x16: {  	[tilespmem:s0], [sflag:$0x1] =	stream.linear.gather [hbm4b:s7+s0], $0x3600, $0x38;
	[tilespmem:$0x1FC80] =	vst v63  }
0x17: {  	[spmem:s15], [sflag:s9] =	dma.local [hbm:s8], $0x2780  }
0x18: {  	_ =	swait.ge [sflag:s16], $0x2780  }
0x19: {  	[sflag:s16] =	ssyncset.done $0x0  }
0x1a: {  	s29 =	simm.s32 $0x40;
	s30 =	simm.s32 $0x0;
	[sflag:s16] =	ssyncadd.s32 $0xFFFFD880  }
.LBB2_2:
0x1b: {  	p0 =	sne.s32 s29, $0x9DC0;
	[tilespmem:s30+$0x1D500] =	vst v0;
	s30 =	smov.u32 s29;
	s29 =	sadd.s32 $0x40, s29  }
.Ltmp0:
0x1c: {  	(pc) =	sbr.rel @p0 .LBB2_2-.Ltmp0, $2  }
0x1d: {  	_ =	sdelay $0x2  }
0x1e: {  	s30 =	sshra.s32 s30, $0x2  }
0x1f: {  	[tilespmem:s30+$0x1D500] =	vst v0  }
0x20: {  	_ =	swait.ge [sflag:s17], $0x3600  }
0x21: {  	[sflag:s17] =	ssyncset.done $0x0  }
0x22: {  	[sflag:s17] =	ssyncadd.s32 $0xFFFFCA00  }
0x23: {  	s29 =	simm.s32 $0x0;
	[bflag:$0x0] =	sbarrier.arrive $0xFFFF  }
0x24: {  	[tilespmem:s18], [sflag:$0x5] =	stream.linear.gather [hbm4b:s10+s29], $0x80, $0x38;
	[tilespmem:$0x1FC80] =	vst v63  }
0x25: {  	_ =	swait.ge [sflag:s16], $0x80  }
0x26: {  	[sflag:s16] =	ssyncset.done $0x0  }
0x27: {  	[sflag:s16] =	ssyncadd.s32 $0xFFFFFF80  }
0x28: {  	[tilespmem:s20], [sflag:$0x1] =	stream.indirect.gather [hbm4b:s1+s19], $0x80, s18, s19, $0xb8;
	[tilespmem:$0x1FC80] =	vst v63  }
0x29: {  	_ = 	snop  }
0x2a: {  	[tilespmem:s21], [sflag:$0x5] =	stream.linear.gather [hbm4b:s11+s29], $0x80, $0x38;
	[tilespmem:$0x1FC80] =	vst v63  }
0x2b: {  	_ =	swait.ge [sflag:s16], $0x80  }
0x2c: {  	[sflag:s16] =	ssyncset.done $0x0  }
0x2d: {  	s30 =	simm.s32 $0x180;
	[sflag:s16] =	ssyncadd.s32 $0xFFFFFF80  }
0x2e: {  	[tilespmem:s22], [sflag:$0x2] =	stream.indirect.gather [hbm4b:s1+s19], $0x80, s21, s19, $0xb8;
	[tilespmem:$0x1FC80] =	vst v63  }
.LBB2_4:
0x2f: {  	p0 =	seq.s32 s29, $0xD400  }
0x30: {  	s31 =	sadd.s32 @!p0 $0xFFFFFF80, s30  }
0x31: {  	s2 =	sand.u32 @!p0 $0x7C00, s31  }
0x32: {  	s31 =	sand.u32 @!p0 $0x300, s31;
	s2 =	sadd.s32 @!p0 s4, s2  }
0x33: {  	_ =	swait.ge [sflag:s17], $0x3000;
	s2 =	sor.u32 @!p0 s31, s2  }
0x34: {  	[sflag:s17] =	ssyncset.done $0x0;
	s0 =	simm.s32 @!p0 $0x3800;
	s2 =	sshrl.u32 @!p0 s2, $0x3  }
0x35: {  	[sflag:s17] =	ssyncadd.s32 $0xFFFFD000;
	s31 =	simm.s32 @!p0 $0x0;
	s2 =	sadd.s32 @!p0 s6, s2  }
0x36: {  	[tilespmem:s0], [sflag:$0x3] =	stream.linear.gather @!p0 [hbm4b:s2+s31], $0x80, $0x38;
	[tilespmem:$0x1FC80] =	vst v63  }
0x37: {  	s2 =	sshra.s32 s29, $0x2  }
0x38: {  	[spmem:s3] =	stream.indirect.scatter.add.f32 [tilespmem:s20], [sflag:$0x5], $0x80, s2, s19, $0xb8;
	[tilespmem:$0x1FC80] =	vst v63  }
0x39: {  	_ =	swait.ge [sflag:s16], $0x3000  }
0x3a: {  	[sflag:s16] =	ssyncset.done $0x0  }
0x3b: {  	s5 =	simm.s32 @!p0 $0x3;
	[sflag:s16] =	ssyncadd.s32 $0xFFFFD000  }
0x3c: {  	_ =	swait.ge @!p0 [sflag:s5], $0x80  }
0x3d: {  	[sflag:s5] =	ssyncset.done @!p0 $0x0  }
0x3e: {  	s25 =	simm.s32 @!p0 $0x3900;
	[sflag:s5] =	ssyncadd.s32 @!p0 $0xFFFFFF80;
	s5 =	simm.s32 @!p0 $0x60  }
0x3f: {  	[tilespmem:s25], [sflag:$0x1] =	stream.indirect.gather @!p0 [hbm4b:s1+s5], $0x80, s0, s5, $0xb8;
	[tilespmem:$0x1FC80] =	vst v63  }
0x40: {  	v2 =	vld [tilespmem:s2+$0x0];
	_ =	sdelay $0x7  }
0x41: {  	[tilespmem:v2+s23+$0x0] =	vst.idx.add.f32.msk $0xffff, v1  }
0x42: {  	v2 =	vld [tilespmem:s2+$0x10];
	_ =	sdelay $0x7  }
0x43: {  	[tilespmem:v2+s23+$0x0] =	vst.idx.add.f32.msk $0xffff, v1  }
0x44: {  	v2 =	vld [tilespmem:s2+$0x20];
	_ =	sdelay $0x7  }
0x45: {  	[tilespmem:v2+s23+$0x0] =	vst.idx.add.f32.msk $0xffff, v1  }
0x46: {  	v2 =	vld [tilespmem:s2+$0x30];
	_ =	sdelay $0x7  }
0x47: {  	[tilespmem:v2+s23+$0x0] =	vst.idx.add.f32.msk $0xffff, v1  }
0x48: {  	v2 =	vld [tilespmem:s2+$0x40];
	_ =	sdelay $0x7  }
0x49: {  	[tilespmem:v2+s23+$0x0] =	vst.idx.add.f32.msk $0xffff, v1  }
0x4a: {  	v2 =	vld [tilespmem:s2+$0x50];
	_ =	sdelay $0x6  }
0x4b: {  	s0 =	sand.u32 @!p0 $0x7C00, s30  }
0x4c: {  	s25 =	sand.u32 @!p0 $0x380, s30;
	s0 =	sadd.s32 @!p0 s4, s0;
	[tilespmem:v2+s23+$0x0] =	vst.idx.add.f32.msk $0xffff, v1  }
0x4d: {  	s0 =	sor.u32 @!p0 s25, s0;
	_ =	swait.ge [sflag:s24], $0x3000  }
0x4e: {  	s0 =	sshrl.u32 @!p0 s0, $0x3;
	[sflag:s24] =	ssyncset.done $0x0  }
0x4f: {  	s25 =	simm.s32 @!p0 $0x3880;
	s0 =	sadd.s32 @!p0 s6, s0;
	[sflag:s24] =	ssyncadd.s32 $0xFFFFD000  }
0x50: {  	[tilespmem:s25], [sflag:$0x4] =	stream.linear.gather @!p0 [hbm4b:s0+s31], $0x80, $0x38;
	[tilespmem:$0x1FC80] =	vst v63  }
0x51: {  	s31 =	sadd.s32 $0x80, s2  }
0x52: {  	[spmem:s3] =	stream.indirect.scatter.add.f32 [tilespmem:s22], [sflag:$0x5], $0x80, s31, s19, $0xb8;
	[tilespmem:$0x1FC80] =	vst v63  }
0x53: {  	_ =	swait.ge [sflag:s16], $0x3000  }
0x54: {  	[sflag:s16] =	ssyncset.done $0x0  }
0x55: {  	s0 =	simm.s32 @!p0 $0x4;
	[sflag:s16] =	ssyncadd.s32 $0xFFFFD000  }
0x56: {  	_ =	swait.ge @!p0 [sflag:s0], $0x80  }
0x57: {  	[sflag:s0] =	ssyncset.done @!p0 $0x0  }
0x58: {  	[sflag:s0] =	ssyncadd.s32 @!p0 $0xFFFFFF80;
	s0 =	simm.s32 @!p0 $0x6900  }
0x59: {  	[tilespmem:s0], [sflag:$0x2] =	stream.indirect.gather @!p0 [hbm4b:s1+s5], $0x80, s25, s5, $0xb8;
	[tilespmem:$0x1FC80] =	vst v63  }
0x5a: {  	v2 =	vld [tilespmem:s2+$0x80];
	_ =	sdelay $0x7  }
0x5b: {  	[tilespmem:v2+s23+$0x0] =	vst.idx.add.f32.msk $0xffff, v1  }
0x5c: {  	v2 =	vld [tilespmem:s2+$0x90];
	_ =	sdelay $0x7  }
0x5d: {  	[tilespmem:v2+s23+$0x0] =	vst.idx.add.f32.msk $0xffff, v1  }
0x5e: {  	v2 =	vld [tilespmem:s2+$0xA0];
	_ =	sdelay $0x7  }
0x5f: {  	[tilespmem:v2+s23+$0x0] =	vst.idx.add.f32.msk $0xffff, v1  }
0x60: {  	v2 =	vld [tilespmem:s2+$0xB0];
	_ =	sdelay $0x7  }
0x61: {  	[tilespmem:v2+s23+$0x0] =	vst.idx.add.f32.msk $0xffff, v1  }
0x62: {  	v2 =	vld [tilespmem:s2+$0xC0];
	_ =	sdelay $0x7  }
0x63: {  	[tilespmem:v2+s23+$0x0] =	vst.idx.add.f32.msk $0xffff, v1  }
0x64: {  	v2 =	vld [tilespmem:s2+$0xD0];
	_ =	sdelay $0x1  }
0x65: {  	s29 =	sadd.s32 $0x400, s29  }
0x66: {  	p0 =	sne.s32 s29, $0xD800  }
.Ltmp1:
0x67: {  	_ = 	snop;
	(pc) =	sbr.rel @p0 .LBB2_4-.Ltmp1, $2  }
0x68: {  	_ =	sdelay $0x2  }
0x69: {  	s30 =	sadd.s32 $0x100, s30;
	[tilespmem:v2+s23+$0x0] =	vst.idx.add.f32.msk $0xffff, v1  }
0x6a: {  	[bflag:$0x0] =	sbarrier.arrive $0xFFFF  }
0x6b: {  	[hbm:s12], [sflag:s9] =	dma.local [spmem:s15], $0x2780  }
0x6c: {  	s28 =	sadd.s32 $0x1, s28;
	_ =	swait.ge [sflag:s16], $0x2780  }
0x6d: {  	p0 =	sne.s32 s28, s14;
	[sflag:s16] =	ssyncset.done $0x0  }
.Ltmp2:
0x6e: {  	s0 =	simm.s32 $0x80;
	[sflag:s16] =	ssyncadd.s32 $0xFFFFD880;
	(pc) =	sbr.rel @p0 .LBB2_1-.Ltmp2, $4  }
0x6f: {  	[hbm4b:s13+s0] =	stream.strided.scatter [tilespmem:s23], [sflag:$0x5], $0x2780, s26, s0, $0x38;
	[tilespmem:$0x1FC80] =	vst v63  }
0x70: {  	_ =	swait.ge [sflag:s16], $0x2780  }
0x71: {  	[sflag:s16] =	ssyncset.done $0x0  }
0x72: {  	[sflag:s16] =	ssyncadd.s32 $0xFFFFD880  }
0x73: {  	_ =	sfence.sel $0x180000  }
0x74: {  	[bflag:$0x0] =	sbarrier.arrive $0xFFFF  }
0x75: {  	_ =	strace $0x90000047  }
0x76: {  	s0 =	stileid.u32;
	[bflag:$0x2] =	sbarrier.arrive $0xFFFF  }
0x77: {  	p0 =	sne.s32 s0, $0x0;
	s0 =	rddreg [dreg:$0x4]  }
0x78: {  	s0 =	sadd.s32 @!p0 $0x100000, s0  }
0x79: {  	[sflag:s0] =	ssyncadd.tile.s32 @!p0 $0x1;
	_ =	shalt  }
.Lfunc_end2:
_tile_overlayer_lowered:
.L_overlay_start_2:
0x7a: {  	(tag) =	ssettag $0x2  }
0x7b: {  	s0 =	rddreg [dreg:$0x0];
	s2 =	stileid.u32  }
0x7c: {  	s1 =	rddreg [dreg:$0x1];
	p0 =	sne.s32 s2, $0x0  }
0x7d: {  	s3 =	rddreg [dreg:$0x2];
	[bflag:$0x3] =	sbarrier.arrive $0xFFFF;
	s2 =	simm.s32 @!p0 $0x1C05  }
0x7e: {  	[timem:s3], [sflag:s2] =	dma.local @!p0 [hbm:s0], s1  }
0x7f: {  	s0 =	simm.s32 @!p0 $0x5  }
0x80: {  	_ =	swait.ge @!p0 [sflag:s0], s1  }
0x81: {  	s1 =	ssub.s32 @!p0 $0x0, s1;
	[sflag:s0] =	ssyncset.done @!p0 $0x0  }
0x82: {  	[sflag:s0] =	ssyncadd.s32 @!p0 s1  }
0x83: {  	[bflag:$0x3] =	sbarrier.arrive $0xFFFF  }
0x84: {  	_ =	shalt  }

</sc_bundles>
